<compile_context>
chip_gen: v7x
topology: tpu7x:2x2x1
jax: 0.10.2.dev20260603
libtpu: 0.0.44.dev20260713+nightly
codegen_flags: <defaults>
</compile_context>

<pallas_src>
import jax
import jax.numpy as jnp
from jax import lax
from jax.experimental import pallas as pl
from jax.experimental.pallas import tpu as pltpu
from jax.experimental.pallas import tpu_sc as plsc

F32 = jnp.float32

N_ATOMS = 2048
TILE = 256
NT = N_ATOMS // TILE
NSLOT = NT * (NT + 1) // 2
TRASH = NSLOT

SIGMA = 0.1
H = SIGMA / 8.0
INV_H = 1.0 / H
RS = 913
MBINS = 872
CLAMP = 888.0

NC, NS, NW = 2, 16, 32
P_PAIRS = NSLOT * TILE * TILE
PW = P_PAIRS // NW
CB = 18432
NB = PW // CB

B_LI, B_P, B_S = -1.90, 5.13, 2.847


def _pair_body(cell_sm, fi_ref, fjt_ref, spi_ref, spj_ref, p_ref):
    ti = pl.program_id(0)
    tj = pl.program_id(1)
    fi = fi_ref[...]
    fjt = fjt_ref[...]
    dx = fi[:, 0:1] - fjt[0:1, :]
    dy = fi[:, 1:2] - fjt[1:2, :]
    dz = fi[:, 2:3] - fjt[2:3, :]
    dx = (dx - jnp.round(dx)).astype(jnp.bfloat16).astype(F32)
    dy = (dy - jnp.round(dy)).astype(jnp.bfloat16).astype(F32)
    dz = (dz - jnp.round(dz)).astype(jnp.bfloat16).astype(F32)
    ux = dx * cell_sm[0, 0]
    uy = dy * cell_sm[1, 1]
    uz = dz * cell_sm[2, 2]
    dist = jnp.sqrt(ux * ux + uy * uy + uz * uz + 1e-12)
    gi = ti * TILE + lax.broadcasted_iota(jnp.int32, (TILE, TILE), 0)
    gj = tj * TILE + lax.broadcasted_iota(jnp.int32, (TILE, TILE), 1)
    t = jnp.minimum(dist * INV_H, CLAMP)
    m = t.astype(jnp.int32)
    uq = jnp.minimum(((t - m.astype(F32)) * 1024.0).astype(jnp.int32), 1023)
    lane = lax.broadcasted_iota(jnp.int32, (TILE, TILE), 1) % 16
    code = jnp.where(gi < gj, spi_ref[...] * 3 + spj_ref[...], 9)
    p_ref[0] = (m + lane * RS) | (uq << 14) | (code << 24)


def _tri_slot(ti, tj):
    upper = ti * NT - (ti * (ti - 1)) // 2 + (tj - ti)
    return jnp.where(tj >= ti, upper, TRASH)


def _pairs_tc(frac, fract, sp_col, sp_row, cell):
    outi = jax.ShapeDtypeStruct((NSLOT + 1, TILE, TILE), jnp.int32)
    ospec = pl.BlockSpec((1, TILE, TILE), lambda ti, tj: (_tri_slot(ti, tj), 0, 0))
    return pl.pallas_call(
        _pair_body,
        grid=(NT, NT),
        in_specs=[
            pl.BlockSpec(memory_space=pltpu.SMEM),
            pl.BlockSpec((TILE, 3), lambda ti, tj: (ti, 0)),
            pl.BlockSpec((3, TILE), lambda ti, tj: (0, tj)),
            pl.BlockSpec((TILE, 1), lambda ti, tj: (ti, 0)),
            pl.BlockSpec((1, TILE), lambda ti, tj: (0, tj)),
        ],
        out_specs=[ospec],
        out_shape=[outi],
        compiler_params=pltpu.CompilerParams(
            dimension_semantics=("parallel", "arbitrary")),
    )(cell, frac, fract, sp_col, sp_row)


def _sc_body(p_hbm, wtab_hbm, out_hbm,
             pbuf_a, pbuf_b, wtab, h0, h1, h2, sem_a, sem_b):
    c = lax.axis_index("c")
    s = lax.axis_index("s")
    wid = s * NC + c
    base_row = wid * (PW // 256)

    pltpu.sync_copy(wtab_hbm, wtab)

    @pl.loop(0, 16 * RS, step=16)
    def _zero(i):
        z = jnp.zeros((16,), F32)
        h0[pl.ds(i, 16)] = z
        h1[pl.ds(i, 16)] = z
        h2[pl.ds(i, 16)] = z

    sems = [sem_a, sem_b]
    bufs = [pbuf_a, pbuf_b]
    rows = CB // 256

    def start(b, slot):
        return pltpu.async_copy(p_hbm.at[pl.ds(base_row + b * rows, rows)],
                                bufs[slot], sems[slot])

    DQ = H / 1024.0
    DOFF = 0.5 * DQ - 0.5 * H

    def process(slot):
        buf = bufs[slot]

        @pl.loop(0, rows)
        def _row(r):
            @plsc.parallel_loop(0, 256, 16, unroll=8)
            def _p(i):
                v = buf[r, pl.ds(i, 16)]
                idx = v & 0x3FFF
                uq = (v >> 14) & 0x3FF
                codew = plsc.load_gather(wtab, [v >> 24])
                delta = uq.astype(F32) * DQ + DOFF
                wd = codew * delta
                plsc.addupdate_scatter(h0, [idx], codew)
                plsc.addupdate_scatter(h1, [idx], wd)
                plsc.addupdate_scatter(h2, [idx], wd * delta)

    pending = start(0, 0)
    for b in range(NB):
        nxt = start(b + 1, (b + 1) % 2) if b + 1 < NB else None
        pending.wait()
        process(b % 2)
        pending = nxt

    rep = 16 * RS
    pltpu.sync_copy(h0, out_hbm.at[pl.ds(wid * rep, rep)])
    pltpu.sync_copy(h1, out_hbm.at[pl.ds(NW * rep + wid * rep, rep)])
    pltpu.sync_copy(h2, out_hbm.at[pl.ds(2 * NW * rep + wid * rep, rep)])


def _sc_hist(p_flat, wtab):
    mesh = plsc.VectorSubcoreMesh(core_axis_name="c", subcore_axis_name="s")
    cp = pltpu.CompilerParams(needs_layout_passes=False)
    k = pl.kernel(
        _sc_body,
        out_type=jax.ShapeDtypeStruct((NW * 3 * 16 * RS,), F32),
        mesh=mesh,
        scratch_types=[
            pltpu.VMEM((CB // 256, 256), jnp.int32),
            pltpu.VMEM((CB // 256, 256), jnp.int32),
            pltpu.VMEM((16,), F32),
            pltpu.VMEM((16 * RS,), F32),
            pltpu.VMEM((16 * RS,), F32),
            pltpu.VMEM((16 * RS,), F32),
            pltpu.SemaphoreType.DMA,
            pltpu.SemaphoreType.DMA,
        ],
        compiler_params=cp,
    )
    return k(p_flat, wtab)


def _finalize_body(params_sm, parts_ref, r_col_ref, q_row_ref,
                   g_ref, t_ref, s_ref, f_ref):
    rho = params_sm[0]
    dr = params_sm[1]
    n = float(N_ATOMS)
    four_pi = 4.0 * 3.14159265358979323846
    norm = 1.0 / (SIGMA * jnp.sqrt(F32(2.0) * 3.14159265358979323846))

    s0 = jnp.sum(parts_ref[0], axis=0).reshape(1, RS)
    s1 = jnp.sum(parts_ref[1], axis=0).reshape(1, RS)
    s2 = jnp.sum(parts_ref[2], axis=0).reshape(1, RS)

    r_col = r_col_ref[...]
    q_row = q_row_ref[...]

    mcol = lax.broadcasted_iota(jnp.int32, (1, RS), 1)
    cen = (mcol.astype(F32) + 0.5) * H
    x = r_col - cen
    inv_s2 = 1.0 / (SIGMA * SIGMA)
    e = jnp.exp(-0.5 * (x * x) * inv_s2)
    poly = (s0 + s1 * (x * inv_s2)
            + s2 * (0.5 * ((x * x) * (inv_s2 * inv_s2) - inv_s2)))
    a = jnp.where(mcol < MBINS, e * poly, 0.0)
    hist = jnp.sum(a, axis=1, keepdims=True) * (2.0 * norm)

    shell = four_pi * r_col * r_col * rho * n
    g_r = hist / shell
    g_ref[...] = four_pi * rho * r_col * (g_r - 1.0)
    t_ref[...] = four_pi * rho * r_col * g_r

    y = r_col * (g_r - 1.0)
    sinqr = jnp.sin(r_col * q_row)
    integ = y * sinqr / q_row
    s_q = 1.0 + four_pi * rho * jnp.sum(integ, axis=0, keepdims=True) * dr
    s_ref[...] = s_q
    f_ref[...] = q_row * (s_q - 1.0)


def _finalize_tc(parts, r_col, q_row, params):
    nr = r_col.shape[0]
    nq = q_row.shape[1]
    return pl.pallas_call(
        _finalize_body,
        in_specs=[
            pl.BlockSpec(memory_space=pltpu.SMEM),
            pl.BlockSpec((3, NW * 16, RS), lambda: (0, 0, 0)),
            pl.BlockSpec((nr, 1), lambda: (0, 0)),
            pl.BlockSpec((1, nq), lambda: (0, 0)),
        ],
        out_specs=[
            pl.BlockSpec((nr, 1), lambda: (0, 0)),
            pl.BlockSpec((nr, 1), lambda: (0, 0)),
            pl.BlockSpec((1, nq), lambda: (0, 0)),
            pl.BlockSpec((1, nq), lambda: (0, 0)),
        ],
        out_shape=[
            jax.ShapeDtypeStruct((nr, 1), F32),
            jax.ShapeDtypeStruct((nr, 1), F32),
            jax.ShapeDtypeStruct((1, nq), F32),
            jax.ShapeDtypeStruct((1, nq), F32),
        ],
    )(params, parts, r_col, q_row)


def kernel(positions, cell, r_bins, q_bins, species):
    n = positions.shape[0]
    nr = r_bins.shape[0]
    nq = q_bins.shape[0]

    b = jnp.where(species == 0, B_LI,
                  jnp.where(species == 1, B_P, B_S)).astype(F32)
    t3 = jnp.array([B_LI, B_P, B_S], F32) / jnp.mean(b)
    wtab = jnp.concatenate([jnp.outer(t3, t3).reshape(9),
                            jnp.zeros(7, F32)])
    inv_cell = jnp.linalg.inv(cell)
    frac = positions @ inv_cell
    fract = frac.T
    sp = species.astype(jnp.int32)

    cell_b = cell.astype(jnp.bfloat16).astype(F32)
    p_t = _pairs_tc(frac, fract, sp.reshape(n, 1), sp.reshape(1, n),
                    cell_b)[0]

    parts = _sc_hist(p_t.reshape(-1, 256), wtab).reshape(3, NW * 16, RS)

    vol = jnp.abs(jnp.linalg.det(cell))
    rho = (n / vol).astype(F32)
    dr = (r_bins[1] - r_bins[0]).astype(F32)
    params = jnp.stack([rho, dr]).astype(F32)

    g2, t2, s2, f2 = _finalize_tc(parts, r_bins.reshape(nr, 1),
                                  q_bins.reshape(1, nq), params)
    return (g2.reshape(nr), t2.reshape(nr), s2.reshape(nq), f2.reshape(nq))

# --- scband reference (transcript-rebuilt; emitter-appended) ---
"""Pipeline reference for scband-xrdmodel-2259152798238 (READ-ONLY COPY).

The authoritative reference and input builder live on the scoring server;
editing this copy changes nothing except your own understanding.
"""

import jax, jax.numpy as jnp
import numpy as np

N_ATOMS = 2048
BOX_L = 30.0
SIGMA = 0.1  # kernel_width from config
B_TABLE = np.array([-1.90, 5.13, 2.847], dtype=np.float32)  # Li, P, S neutron scattering lengths


def setup_inputs(seed: int = 0) -> dict:
    key = jax.random.key(seed)
    k1, k2 = jax.random.split(key)
    positions = jax.random.uniform(k1, (N_ATOMS, 3), dtype=jnp.float32) * BOX_L
    cell = jnp.eye(3, dtype=jnp.float32) * BOX_L
    species = jax.random.randint(k2, (N_ATOMS,), 0, 3)  # indices into B_TABLE
    r_bins = jnp.linspace(0.5, 10.0, 200, dtype=jnp.float32)
    q_bins = jnp.linspace(0.5, 15.0, 300, dtype=jnp.float32)
    return {"positions": positions, "cell": cell, "r_bins": r_bins, "q_bins": q_bins, "species": species}


def reference(positions, cell, r_bins, q_bins, species):
    n = positions.shape[0]
    b_table = jnp.asarray(B_TABLE)
    b = jnp.take(b_table, species, axis=0)  # gather: per-atom scattering length

    # minimum-image pairwise distances under periodic cell
    inv_cell = jnp.linalg.inv(cell)
    frac = positions @ inv_cell
    df = frac[:, None, :] - frac[None, :, :]
    df = df - jnp.round(df)
    disp = jnp.einsum('ijk,kl->ijl', df, cell)
    dist = jnp.sqrt(jnp.sum(disp * disp, axis=-1) + 1e-12)

    # neutron-weighted pair weights, self-pairs masked
    mask = 1.0 - jnp.eye(n, dtype=positions.dtype)
    b_mean_sq = jnp.mean(b) ** 2
    w = (b[:, None] * b[None, :]) * mask / b_mean_sq

    # Gaussian-kernel histogram over r_bins (differentiable binning)
    norm = 1.0 / (SIGMA * jnp.sqrt(2.0 * jnp.pi))

    def per_bin(r):
        return jnp.sum(w * jnp.exp(-0.5 * ((r - dist) / SIGMA) ** 2)) * norm

    hist = jax.lax.map(per_bin, r_bins)

    # normalize to g(r)
    vol = jnp.abs(jnp.linalg.det(cell))
    rho = n / vol
    shell = 4.0 * jnp.pi * r_bins ** 2 * rho * n
    g_r = hist / shell

    # real-space correlation functions
    G_r = 4.0 * jnp.pi * rho * r_bins * (g_r - 1.0)
    T_r = 4.0 * jnp.pi * rho * r_bins * g_r

    # structure factor via Fourier transform of g(r)-1
    dr = r_bins[1] - r_bins[0]
    integrand = r_bins[None, :] * (g_r - 1.0)[None, :] * jnp.sin(q_bins[:, None] * r_bins[None, :]) / q_bins[:, None]
    S_Q = 1.0 + 4.0 * jnp.pi * rho * jnp.sum(integrand, axis=1) * dr
    F_Q = q_bins * (S_Q - 1.0)

    return (G_r, T_r, S_Q, F_Q)

if __name__ == "__main__":
    import jax
    _d = setup_inputs()
    print(jax.jit(kernel)(*tuple(_d.values())))

</pallas_src>

<mosaic_0001>
#map = affine_map<(d0, d1) -> (0, 0)>
#map1 = affine_map<(d0, d1) -> (0)>
module attributes {stable_mosaic.version = 14 : i64} {
  func.func @_sc_body(%arg0: i32, %arg1: i32, %arg2: memref<9472x256xi32, #tpu.memory_space<hbm>>, %arg3: memref<16xf32, #tpu.memory_space<hbm>>, %arg4: memref<1402368xf32, #tpu.memory_space<hbm>>, %arg5: memref<72x256xi32, #tpu.memory_space<vmem>>, %arg6: memref<72x256xi32, #tpu.memory_space<vmem>>, %arg7: memref<16xf32, #tpu.memory_space<vmem>>, %arg8: memref<14608xf32, #tpu.memory_space<vmem>>, %arg9: memref<14608xf32, #tpu.memory_space<vmem>>, %arg10: memref<14608xf32, #tpu.memory_space<vmem>>, %arg11: memref<!tpu.dma_semaphore, #tpu.memory_space<semaphore_mem>>, %arg12: memref<!tpu.dma_semaphore, #tpu.memory_space<semaphore_mem>>) attributes {dimension_semantics = [#tpu.dimension_semantics<core_parallel>, #tpu.dimension_semantics<subcore_parallel>], iteration_bounds = array<i64: 2, 16>, scalar_prefetch = 0 : i64, scratch_operands = 8 : i64, tpu.core_type = #tpu.core_type<sc_vector_subcore>, window_params = [{transform_indices = #map}, {transform_indices = #map1}, {transform_indices = #map1}]} {
    %mul3A = arith.constant 2 : i32
    %mul3A_0 = arith.muli %arg1, %mul3A : i32
    %add3A = arith.addi %mul3A_0, %arg0 : i32
    %mul3A_1 = arith.constant 288 : i32
    %mul3A_2 = arith.muli %add3A, %mul3A_1 : i32
    "tpu.region"() ({
      %run_scoped3A = tpu.sem_alloc : memref<!tpu.dma_semaphore, #tpu.memory_space<semaphore_mem>>
      tpu.enqueue_dma source(%arg3 : memref<16xf32, #tpu.memory_space<hbm>>) target(%arg7 : memref<16xf32, #tpu.memory_space<vmem>>) target_semaphore(%run_scoped3A : memref<!tpu.dma_semaphore, #tpu.memory_space<semaphore_mem>>)
      tpu.wait_dma2 semaphore(%run_scoped3A : memref<!tpu.dma_semaphore, #tpu.memory_space<semaphore_mem>>) src(%arg3 : memref<16xf32, #tpu.memory_space<hbm>>) dst(%arg7 : memref<16xf32, #tpu.memory_space<vmem>>)
      tpu.yield
    }) : () -> ()
    %scan3A = arith.constant 0 : i32
    %scan3A_3 = arith.constant 913 : i32
    %scan3A_4 = arith.addi %scan3A, %scan3A_3 : i32
    %scan3A_5 = arith.constant 1 : i32
    scf.for %scan3A_75 = %scan3A to %scan3A_4 step %scan3A_5  : i32 {
      %mul3A_76 = arith.constant 16 : i32
      %mul3A_77 = arith.muli %scan3A_75, %mul3A_76 : i32
      %add3A_78 = arith.constant 0 : i32
      %add3A_79 = arith.addi %add3A_78, %mul3A_77 : i32
      %broadcast_in_dim3A = arith.constant 0.000000e+00 : f32
      %broadcast_in_dim3A_80 = vector.broadcast %broadcast_in_dim3A : f32 to vector<16xf32>
      %swap3A = arith.index_cast %add3A_79 : i32 to index
      %swap3A_81 = tpu.vector_load %arg8[%swap3A] {strides = array<i32>} : memref<14608xf32, #tpu.memory_space<vmem>>, vector<16xf32>,
      tpu.vector_store %arg8[%swap3A], %broadcast_in_dim3A_80 {strides = array<i32>} : memref<14608xf32, #tpu.memory_space<vmem>>, vector<16xf32>,
      %swap3A_82 = arith.index_cast %add3A_79 : i32 to index
      %swap3A_83 = tpu.vector_load %arg9[%swap3A_82] {strides = array<i32>} : memref<14608xf32, #tpu.memory_space<vmem>>, vector<16xf32>,
      tpu.vector_store %arg9[%swap3A_82], %broadcast_in_dim3A_80 {strides = array<i32>} : memref<14608xf32, #tpu.memory_space<vmem>>, vector<16xf32>,
      %swap3A_84 = arith.index_cast %add3A_79 : i32 to index
      %swap3A_85 = tpu.vector_load %arg10[%swap3A_84] {strides = array<i32>} : memref<14608xf32, #tpu.memory_space<vmem>>, vector<16xf32>,
      tpu.vector_store %arg10[%swap3A_84], %broadcast_in_dim3A_80 {strides = array<i32>} : memref<14608xf32, #tpu.memory_space<vmem>>, vector<16xf32>,
    }
    %scan3A_6 = arith.constant 913 : i32
    %add3A_7 = arith.constant 0 : i32
    %add3A_8 = arith.addi %mul3A_2, %add3A_7 : i32
    %dma_start3A = arith.constant 0 : i32
    %dma_start3A_9 = tpu.memref_slice %arg2[%add3A_8, %dma_start3A] : memref<9472x256xi32, #tpu.memory_space<hbm>> -> memref<72x256xi32, #tpu.memory_space<hbm>>
    %dma_start3A_10 = arith.constant 0 : i32
    %dma_start3A_11 = tpu.memref_slice %arg2[%add3A_8, %dma_start3A_10] : memref<9472x256xi32, #tpu.memory_space<hbm>> -> memref<72x256xi32, #tpu.memory_space<hbm>>
    tpu.enqueue_dma source(%dma_start3A_11 : memref<72x256xi32, #tpu.memory_space<hbm>>) target(%arg5 : memref<72x256xi32, #tpu.memory_space<vmem>>) target_semaphore(%arg11 : memref<!tpu.dma_semaphore, #tpu.memory_space<semaphore_mem>>)
    %add3A_12 = arith.constant 72 : i32
    %add3A_13 = arith.addi %mul3A_2, %add3A_12 : i32
    %dma_start3A_14 = arith.constant 0 : i32
    %dma_start3A_15 = tpu.memref_slice %arg2[%add3A_13, %dma_start3A_14] : memref<9472x256xi32, #tpu.memory_space<hbm>> -> memref<72x256xi32, #tpu.memory_space<hbm>>
    %dma_start3A_16 = arith.constant 0 : i32
    %dma_start3A_17 = tpu.memref_slice %arg2[%add3A_13, %dma_start3A_16] : memref<9472x256xi32, #tpu.memory_space<hbm>> -> memref<72x256xi32, #tpu.memory_space<hbm>>
    tpu.enqueue_dma source(%dma_start3A_17 : memref<72x256xi32, #tpu.memory_space<hbm>>) target(%arg6 : memref<72x256xi32, #tpu.memory_space<vmem>>) target_semaphore(%arg12 : memref<!tpu.dma_semaphore, #tpu.memory_space<semaphore_mem>>)
    %dma_wait3A = arith.constant 0 : i32
    %dma_wait3A_18 = tpu.memref_slice %arg2[%add3A_8, %dma_wait3A] : memref<9472x256xi32, #tpu.memory_space<hbm>> -> memref<72x256xi32, #tpu.memory_space<hbm>>
    %dma_wait3A_19 = arith.constant 0 : i32
    %dma_wait3A_20 = tpu.memref_slice %arg2[%add3A_8, %dma_wait3A_19] : memref<9472x256xi32, #tpu.memory_space<hbm>> -> memref<72x256xi32, #tpu.memory_space<hbm>>
    tpu.wait_dma2 semaphore(%arg11 : memref<!tpu.dma_semaphore, #tpu.memory_space<semaphore_mem>>) src(%dma_wait3A_20 : memref<72x256xi32, #tpu.memory_space<hbm>>) dst(%arg5 : memref<72x256xi32, #tpu.memory_space<vmem>>)
    %scan3A_21 = arith.constant 0 : i32
    %scan3A_22 = arith.constant 72 : i32
    %scan3A_23 = arith.addi %scan3A_21, %scan3A_22 : i32
    %scan3A_24 = arith.constant 1 : i32
    scf.for %scan3A_75 = %scan3A_21 to %scan3A_23 step %scan3A_24  : i32 {
      %mul3A_76 = arith.constant 1 : i32
      %mul3A_77 = arith.muli %scan3A_75, %mul3A_76 : i32
      %add3A_78 = arith.constant 0 : i32
      %add3A_79 = arith.addi %add3A_78, %mul3A_77 : i32
      %parallel_loop3A = arith.constant 0 : i32
      %parallel_loop3A_80 = arith.constant 256 : i32
      %parallel_loop3A_81 = arith.constant 16 : i32
      scf.for %parallel_loop3A_82 = %parallel_loop3A to %parallel_loop3A_80 step %parallel_loop3A_81  : i32 {
        %parallel_loop3A_83 = arith.index_cast %add3A_79 : i32 to index
        %parallel_loop3A_84 = arith.index_cast %parallel_loop3A_82 : i32 to index
        %parallel_loop3A_85 = tpu.vector_load %arg5[%parallel_loop3A_83, %parallel_loop3A_84] {strides = array<i32>} : memref<72x256xi32, #tpu.memory_space<vmem>>, vector<16xi32>,
        %parallel_loop3A_86 = arith.constant 16383 : i32
        %parallel_loop3A_87 = vector.broadcast %parallel_loop3A_86 : i32 to vector<16xi32>
        %parallel_loop3A_88 = arith.andi %parallel_loop3A_85, %parallel_loop3A_87 : vector<16xi32>
        %parallel_loop3A_89 = arith.constant 14 : i32
        %parallel_loop3A_90 = vector.broadcast %parallel_loop3A_89 : i32 to vector<16xi32>
        %parallel_loop3A_91 = arith.shrsi %parallel_loop3A_85, %parallel_loop3A_90 : vector<16xi32>
        %parallel_loop3A_92 = arith.constant 1023 : i32
        %parallel_loop3A_93 = vector.broadcast %parallel_loop3A_92 : i32 to vector<16xi32>
        %parallel_loop3A_94 = arith.andi %parallel_loop3A_91, %parallel_loop3A_93 : vector<16xi32>
        %parallel_loop3A_95 = arith.constant 24 : i32
        %parallel_loop3A_96 = vector.broadcast %parallel_loop3A_95 : i32 to vector<16xi32>
        %parallel_loop3A_97 = arith.shrsi %parallel_loop3A_85, %parallel_loop3A_96 : vector<16xi32>
        %parallel_loop3A_98 = tpu.vector_load_idx %arg7[%parallel_loop3A_97] : memref<16xf32, #tpu.memory_space<vmem>>[vector<16xi32>], vector<16xf32>,
        %parallel_loop3A_99 = arith.sitofp %parallel_loop3A_94 : vector<16xi32> to vector<16xf32>
        %parallel_loop3A_100 = arith.constant 1.22070314E-5 : f32
        %parallel_loop3A_101 = vector.broadcast %parallel_loop3A_100 : f32 to vector<16xf32>
        %parallel_loop3A_102 = arith.mulf %parallel_loop3A_99, %parallel_loop3A_101 : vector<16xf32>
        %parallel_loop3A_103 = arith.constant -0.00624389667 : f32
        %parallel_loop3A_104 = vector.broadcast %parallel_loop3A_103 : f32 to vector<16xf32>
        %parallel_loop3A_105 = arith.addf %parallel_loop3A_102, %parallel_loop3A_104 : vector<16xf32>
        %parallel_loop3A_106 = arith.mulf %parallel_loop3A_98, %parallel_loop3A_105 : vector<16xf32>
        tpu.vector_store_idx %arg8[%parallel_loop3A_88], %parallel_loop3A_98 {add = true} : memref<14608xf32, #tpu.memory_space<vmem>>[vector<16xi32>], vector<16xf32>,
        tpu.vector_store_idx %arg9[%parallel_loop3A_88], %parallel_loop3A_106 {add = true} : memref<14608xf32, #tpu.memory_space<vmem>>[vector<16xi32>], vector<16xf32>,
        %parallel_loop3A_107 = arith.mulf %parallel_loop3A_106, %parallel_loop3A_105 : vector<16xf32>
        tpu.vector_store_idx %arg10[%parallel_loop3A_88], %parallel_loop3A_107 {add = true} : memref<14608xf32, #tpu.memory_space<vmem>>[vector<16xi32>], vector<16xf32>,
      } {sc.loop_unroll_factor = 8 : i64, sc.parallel_access}
    }
    %scan3A_25 = arith.constant 72 : i32
    %add3A_26 = arith.constant 144 : i32
    %add3A_27 = arith.addi %mul3A_2, %add3A_26 : i32
    %dma_start3A_28 = arith.constant 0 : i32
    %dma_start3A_29 = tpu.memref_slice %arg2[%add3A_27, %dma_start3A_28] : memref<9472x256xi32, #tpu.memory_space<hbm>> -> memref<72x256xi32, #tpu.memory_space<hbm>>
    %dma_start3A_30 = arith.constant 0 : i32
    %dma_start3A_31 = tpu.memref_slice %arg2[%add3A_27, %dma_start3A_30] : memref<9472x256xi32, #tpu.memory_space<hbm>> -> memref<72x256xi32, #tpu.memory_space<hbm>>
    tpu.enqueue_dma source(%dma_start3A_31 : memref<72x256xi32, #tpu.memory_space<hbm>>) target(%arg5 : memref<72x256xi32, #tpu.memory_space<vmem>>) target_semaphore(%arg11 : memref<!tpu.dma_semaphore, #tpu.memory_space<semaphore_mem>>)
    %dma_wait3A_32 = arith.constant 0 : i32
    %dma_wait3A_33 = tpu.memref_slice %arg2[%add3A_13, %dma_wait3A_32] : memref<9472x256xi32, #tpu.memory_space<hbm>> -> memref<72x256xi32, #tpu.memory_space<hbm>>
    %dma_wait3A_34 = arith.constant 0 : i32
    %dma_wait3A_35 = tpu.memref_slice %arg2[%add3A_13, %dma_wait3A_34] : memref<9472x256xi32, #tpu.memory_space<hbm>> -> memref<72x256xi32, #tpu.memory_space<hbm>>
    tpu.wait_dma2 semaphore(%arg12 : memref<!tpu.dma_semaphore, #tpu.memory_space<semaphore_mem>>) src(%dma_wait3A_35 : memref<72x256xi32, #tpu.memory_space<hbm>>) dst(%arg6 : memref<72x256xi32, #tpu.memory_space<vmem>>)
    %scan3A_36 = arith.constant 0 : i32
    %scan3A_37 = arith.constant 72 : i32
    %scan3A_38 = arith.addi %scan3A_36, %scan3A_37 : i32
    %scan3A_39 = arith.constant 1 : i32
    scf.for %scan3A_75 = %scan3A_36 to %scan3A_38 step %scan3A_39  : i32 {
      %mul3A_76 = arith.constant 1 : i32
      %mul3A_77 = arith.muli %scan3A_75, %mul3A_76 : i32
      %add3A_78 = arith.constant 0 : i32
      %add3A_79 = arith.addi %add3A_78, %mul3A_77 : i32
      %parallel_loop3A = arith.constant 0 : i32
      %parallel_loop3A_80 = arith.constant 256 : i32
      %parallel_loop3A_81 = arith.constant 16 : i32
      scf.for %parallel_loop3A_82 = %parallel_loop3A to %parallel_loop3A_80 step %parallel_loop3A_81  : i32 {
        %parallel_loop3A_83 = arith.index_cast %add3A_79 : i32 to index
        %parallel_loop3A_84 = arith.index_cast %parallel_loop3A_82 : i32 to index
        %parallel_loop3A_85 = tpu.vector_load %arg6[%parallel_loop3A_83, %parallel_loop3A_84] {strides = array<i32>} : memref<72x256xi32, #tpu.memory_space<vmem>>, vector<16xi32>,
        %parallel_loop3A_86 = arith.constant 16383 : i32
        %parallel_loop3A_87 = vector.broadcast %parallel_loop3A_86 : i32 to vector<16xi32>
        %parallel_loop3A_88 = arith.andi %parallel_loop3A_85, %parallel_loop3A_87 : vector<16xi32>
        %parallel_loop3A_89 = arith.constant 14 : i32
        %parallel_loop3A_90 = vector.broadcast %parallel_loop3A_89 : i32 to vector<16xi32>
        %parallel_loop3A_91 = arith.shrsi %parallel_loop3A_85, %parallel_loop3A_90 : vector<16xi32>
        %parallel_loop3A_92 = arith.constant 1023 : i32
        %parallel_loop3A_93 = vector.broadcast %parallel_loop3A_92 : i32 to vector<16xi32>
        %parallel_loop3A_94 = arith.andi %parallel_loop3A_91, %parallel_loop3A_93 : vector<16xi32>
        %parallel_loop3A_95 = arith.constant 24 : i32
        %parallel_loop3A_96 = vector.broadcast %parallel_loop3A_95 : i32 to vector<16xi32>
        %parallel_loop3A_97 = arith.shrsi %parallel_loop3A_85, %parallel_loop3A_96 : vector<16xi32>
        %parallel_loop3A_98 = tpu.vector_load_idx %arg7[%parallel_loop3A_97] : memref<16xf32, #tpu.memory_space<vmem>>[vector<16xi32>], vector<16xf32>,
        %parallel_loop3A_99 = arith.sitofp %parallel_loop3A_94 : vector<16xi32> to vector<16xf32>
        %parallel_loop3A_100 = arith.constant 1.22070314E-5 : f32
        %parallel_loop3A_101 = vector.broadcast %parallel_loop3A_100 : f32 to vector<16xf32>
        %parallel_loop3A_102 = arith.mulf %parallel_loop3A_99, %parallel_loop3A_101 : vector<16xf32>
        %parallel_loop3A_103 = arith.constant -0.00624389667 : f32
        %parallel_loop3A_104 = vector.broadcast %parallel_loop3A_103 : f32 to vector<16xf32>
        %parallel_loop3A_105 = arith.addf %parallel_loop3A_102, %parallel_loop3A_104 : vector<16xf32>
        %parallel_loop3A_106 = arith.mulf %parallel_loop3A_98, %parallel_loop3A_105 : vector<16xf32>
        tpu.vector_store_idx %arg8[%parallel_loop3A_88], %parallel_loop3A_98 {add = true} : memref<14608xf32, #tpu.memory_space<vmem>>[vector<16xi32>], vector<16xf32>,
        tpu.vector_store_idx %arg9[%parallel_loop3A_88], %parallel_loop3A_106 {add = true} : memref<14608xf32, #tpu.memory_space<vmem>>[vector<16xi32>], vector<16xf32>,
        %parallel_loop3A_107 = arith.mulf %parallel_loop3A_106, %parallel_loop3A_105 : vector<16xf32>
        tpu.vector_store_idx %arg10[%parallel_loop3A_88], %parallel_loop3A_107 {add = true} : memref<14608xf32, #tpu.memory_space<vmem>>[vector<16xi32>], vector<16xf32>,
      } {sc.loop_unroll_factor = 8 : i64, sc.parallel_access}
    }
    %scan3A_40 = arith.constant 72 : i32
    %add3A_41 = arith.constant 216 : i32
    %add3A_42 = arith.addi %mul3A_2, %add3A_41 : i32
    %dma_start3A_43 = arith.constant 0 : i32
    %dma_start3A_44 = tpu.memref_slice %arg2[%add3A_42, %dma_start3A_43] : memref<9472x256xi32, #tpu.memory_space<hbm>> -> memref<72x256xi32, #tpu.memory_space<hbm>>
    %dma_start3A_45 = arith.constant 0 : i32
    %dma_start3A_46 = tpu.memref_slice %arg2[%add3A_42, %dma_start3A_45] : memref<9472x256xi32, #tpu.memory_space<hbm>> -> memref<72x256xi32, #tpu.memory_space<hbm>>
    tpu.enqueue_dma source(%dma_start3A_46 : memref<72x256xi32, #tpu.memory_space<hbm>>) target(%arg6 : memref<72x256xi32, #tpu.memory_space<vmem>>) target_semaphore(%arg12 : memref<!tpu.dma_semaphore, #tpu.memory_space<semaphore_mem>>)
    %dma_wait3A_47 = arith.constant 0 : i32
    %dma_wait3A_48 = tpu.memref_slice %arg2[%add3A_27, %dma_wait3A_47] : memref<9472x256xi32, #tpu.memory_space<hbm>> -> memref<72x256xi32, #tpu.memory_space<hbm>>
    %dma_wait3A_49 = arith.constant 0 : i32
    %dma_wait3A_50 = tpu.memref_slice %arg2[%add3A_27, %dma_wait3A_49] : memref<9472x256xi32, #tpu.memory_space<hbm>> -> memref<72x256xi32, #tpu.memory_space<hbm>>
    tpu.wait_dma2 semaphore(%arg11 : memref<!tpu.dma_semaphore, #tpu.memory_space<semaphore_mem>>) src(%dma_wait3A_50 : memref<72x256xi32, #tpu.memory_space<hbm>>) dst(%arg5 : memref<72x256xi32, #tpu.memory_space<vmem>>)
    %scan3A_51 = arith.constant 0 : i32
    %scan3A_52 = arith.constant 72 : i32
    %scan3A_53 = arith.addi %scan3A_51, %scan3A_52 : i32
    %scan3A_54 = arith.constant 1 : i32
    scf.for %scan3A_75 = %scan3A_51 to %scan3A_53 step %scan3A_54  : i32 {
      %mul3A_76 = arith.constant 1 : i32
      %mul3A_77 = arith.muli %scan3A_75, %mul3A_76 : i32
      %add3A_78 = arith.constant 0 : i32
      %add3A_79 = arith.addi %add3A_78, %mul3A_77 : i32
      %parallel_loop3A = arith.constant 0 : i32
      %parallel_loop3A_80 = arith.constant 256 : i32
      %parallel_loop3A_81 = arith.constant 16 : i32
      scf.for %parallel_loop3A_82 = %parallel_loop3A to %parallel_loop3A_80 step %parallel_loop3A_81  : i32 {
        %parallel_loop3A_83 = arith.index_cast %add3A_79 : i32 to index
        %parallel_loop3A_84 = arith.index_cast %parallel_loop3A_82 : i32 to index
        %parallel_loop3A_85 = tpu.vector_load %arg5[%parallel_loop3A_83, %parallel_loop3A_84] {strides = array<i32>} : memref<72x256xi32, #tpu.memory_space<vmem>>, vector<16xi32>,
        %parallel_loop3A_86 = arith.constant 16383 : i32
        %parallel_loop3A_87 = vector.broadcast %parallel_loop3A_86 : i32 to vector<16xi32>
        %parallel_loop3A_88 = arith.andi %parallel_loop3A_85, %parallel_loop3A_87 : vector<16xi32>
        %parallel_loop3A_89 = arith.constant 14 : i32
        %parallel_loop3A_90 = vector.broadcast %parallel_loop3A_89 : i32 to vector<16xi32>
        %parallel_loop3A_91 = arith.shrsi %parallel_loop3A_85, %parallel_loop3A_90 : vector<16xi32>
        %parallel_loop3A_92 = arith.constant 1023 : i32
        %parallel_loop3A_93 = vector.broadcast %parallel_loop3A_92 : i32 to vector<16xi32>
        %parallel_loop3A_94 = arith.andi %parallel_loop3A_91, %parallel_loop3A_93 : vector<16xi32>
        %parallel_loop3A_95 = arith.constant 24 : i32
        %parallel_loop3A_96 = vector.broadcast %parallel_loop3A_95 : i32 to vector<16xi32>
        %parallel_loop3A_97 = arith.shrsi %parallel_loop3A_85, %parallel_loop3A_96 : vector<16xi32>
        %parallel_loop3A_98 = tpu.vector_load_idx %arg7[%parallel_loop3A_97] : memref<16xf32, #tpu.memory_space<vmem>>[vector<16xi32>], vector<16xf32>,
        %parallel_loop3A_99 = arith.sitofp %parallel_loop3A_94 : vector<16xi32> to vector<16xf32>
        %parallel_loop3A_100 = arith.constant 1.22070314E-5 : f32
        %parallel_loop3A_101 = vector.broadcast %parallel_loop3A_100 : f32 to vector<16xf32>
        %parallel_loop3A_102 = arith.mulf %parallel_loop3A_99, %parallel_loop3A_101 : vector<16xf32>
        %parallel_loop3A_103 = arith.constant -0.00624389667 : f32
        %parallel_loop3A_104 = vector.broadcast %parallel_loop3A_103 : f32 to vector<16xf32>
        %parallel_loop3A_105 = arith.addf %parallel_loop3A_102, %parallel_loop3A_104 : vector<16xf32>
        %parallel_loop3A_106 = arith.mulf %parallel_loop3A_98, %parallel_loop3A_105 : vector<16xf32>
        tpu.vector_store_idx %arg8[%parallel_loop3A_88], %parallel_loop3A_98 {add = true} : memref<14608xf32, #tpu.memory_space<vmem>>[vector<16xi32>], vector<16xf32>,
        tpu.vector_store_idx %arg9[%parallel_loop3A_88], %parallel_loop3A_106 {add = true} : memref<14608xf32, #tpu.memory_space<vmem>>[vector<16xi32>], vector<16xf32>,
        %parallel_loop3A_107 = arith.mulf %parallel_loop3A_106, %parallel_loop3A_105 : vector<16xf32>
        tpu.vector_store_idx %arg10[%parallel_loop3A_88], %parallel_loop3A_107 {add = true} : memref<14608xf32, #tpu.memory_space<vmem>>[vector<16xi32>], vector<16xf32>,
      } {sc.loop_unroll_factor = 8 : i64, sc.parallel_access}
    }
    %scan3A_55 = arith.constant 72 : i32
    %dma_wait3A_56 = arith.constant 0 : i32
    %dma_wait3A_57 = tpu.memref_slice %arg2[%add3A_42, %dma_wait3A_56] : memref<9472x256xi32, #tpu.memory_space<hbm>> -> memref<72x256xi32, #tpu.memory_space<hbm>>
    %dma_wait3A_58 = arith.constant 0 : i32
    %dma_wait3A_59 = tpu.memref_slice %arg2[%add3A_42, %dma_wait3A_58] : memref<9472x256xi32, #tpu.memory_space<hbm>> -> memref<72x256xi32, #tpu.memory_space<hbm>>
    tpu.wait_dma2 semaphore(%arg12 : memref<!tpu.dma_semaphore, #tpu.memory_space<semaphore_mem>>) src(%dma_wait3A_59 : memref<72x256xi32, #tpu.memory_space<hbm>>) dst(%arg6 : memref<72x256xi32, #tpu.memory_space<vmem>>)
    %scan3A_60 = arith.constant 0 : i32
    %scan3A_61 = arith.constant 72 : i32
    %scan3A_62 = arith.addi %scan3A_60, %scan3A_61 : i32
    %scan3A_63 = arith.constant 1 : i32
    scf.for %scan3A_75 = %scan3A_60 to %scan3A_62 step %scan3A_63  : i32 {
      %mul3A_76 = arith.constant 1 : i32
      %mul3A_77 = arith.muli %scan3A_75, %mul3A_76 : i32
      %add3A_78 = arith.constant 0 : i32
      %add3A_79 = arith.addi %add3A_78, %mul3A_77 : i32
      %parallel_loop3A = arith.constant 0 : i32
      %parallel_loop3A_80 = arith.constant 256 : i32
      %parallel_loop3A_81 = arith.constant 16 : i32
      scf.for %parallel_loop3A_82 = %parallel_loop3A to %parallel_loop3A_80 step %parallel_loop3A_81  : i32 {
        %parallel_loop3A_83 = arith.index_cast %add3A_79 : i32 to index
        %parallel_loop3A_84 = arith.index_cast %parallel_loop3A_82 : i32 to index
        %parallel_loop3A_85 = tpu.vector_load %arg6[%parallel_loop3A_83, %parallel_loop3A_84] {strides = array<i32>} : memref<72x256xi32, #tpu.memory_space<vmem>>, vector<16xi32>,
        %parallel_loop3A_86 = arith.constant 16383 : i32
        %parallel_loop3A_87 = vector.broadcast %parallel_loop3A_86 : i32 to vector<16xi32>
        %parallel_loop3A_88 = arith.andi %parallel_loop3A_85, %parallel_loop3A_87 : vector<16xi32>
        %parallel_loop3A_89 = arith.constant 14 : i32
        %parallel_loop3A_90 = vector.broadcast %parallel_loop3A_89 : i32 to vector<16xi32>
        %parallel_loop3A_91 = arith.shrsi %parallel_loop3A_85, %parallel_loop3A_90 : vector<16xi32>
        %parallel_loop3A_92 = arith.constant 1023 : i32
        %parallel_loop3A_93 = vector.broadcast %parallel_loop3A_92 : i32 to vector<16xi32>
        %parallel_loop3A_94 = arith.andi %parallel_loop3A_91, %parallel_loop3A_93 : vector<16xi32>
        %parallel_loop3A_95 = arith.constant 24 : i32
        %parallel_loop3A_96 = vector.broadcast %parallel_loop3A_95 : i32 to vector<16xi32>
        %parallel_loop3A_97 = arith.shrsi %parallel_loop3A_85, %parallel_loop3A_96 : vector<16xi32>
        %parallel_loop3A_98 = tpu.vector_load_idx %arg7[%parallel_loop3A_97] : memref<16xf32, #tpu.memory_space<vmem>>[vector<16xi32>], vector<16xf32>,
        %parallel_loop3A_99 = arith.sitofp %parallel_loop3A_94 : vector<16xi32> to vector<16xf32>
        %parallel_loop3A_100 = arith.constant 1.22070314E-5 : f32
        %parallel_loop3A_101 = vector.broadcast %parallel_loop3A_100 : f32 to vector<16xf32>
        %parallel_loop3A_102 = arith.mulf %parallel_loop3A_99, %parallel_loop3A_101 : vector<16xf32>
        %parallel_loop3A_103 = arith.constant -0.00624389667 : f32
        %parallel_loop3A_104 = vector.broadcast %parallel_loop3A_103 : f32 to vector<16xf32>
        %parallel_loop3A_105 = arith.addf %parallel_loop3A_102, %parallel_loop3A_104 : vector<16xf32>
        %parallel_loop3A_106 = arith.mulf %parallel_loop3A_98, %parallel_loop3A_105 : vector<16xf32>
        tpu.vector_store_idx %arg8[%parallel_loop3A_88], %parallel_loop3A_98 {add = true} : memref<14608xf32, #tpu.memory_space<vmem>>[vector<16xi32>], vector<16xf32>,
        tpu.vector_store_idx %arg9[%parallel_loop3A_88], %parallel_loop3A_106 {add = true} : memref<14608xf32, #tpu.memory_space<vmem>>[vector<16xi32>], vector<16xf32>,
        %parallel_loop3A_107 = arith.mulf %parallel_loop3A_106, %parallel_loop3A_105 : vector<16xf32>
        tpu.vector_store_idx %arg10[%parallel_loop3A_88], %parallel_loop3A_107 {add = true} : memref<14608xf32, #tpu.memory_space<vmem>>[vector<16xi32>], vector<16xf32>,
      } {sc.loop_unroll_factor = 8 : i64, sc.parallel_access}
    }
    %scan3A_64 = arith.constant 72 : i32
    %mul3A_65 = arith.constant 14608 : i32
    %mul3A_66 = arith.muli %add3A, %mul3A_65 : i32
    "tpu.region"() ({
      %run_scoped3A = tpu.sem_alloc : memref<!tpu.dma_semaphore, #tpu.memory_space<semaphore_mem>>
      %dma_start3A_75 = tpu.memref_slice %arg4[%mul3A_66] : memref<1402368xf32, #tpu.memory_space<hbm>> -> memref<14608xf32, #tpu.memory_space<hbm>>
      %dma_start3A_76 = tpu.memref_slice %arg4[%mul3A_66] : memref<1402368xf32, #tpu.memory_space<hbm>> -> memref<14608xf32, #tpu.memory_space<hbm>>
      tpu.enqueue_dma source(%arg8 : memref<14608xf32, #tpu.memory_space<vmem>>) target(%dma_start3A_76 : memref<14608xf32, #tpu.memory_space<hbm>>) target_semaphore(%run_scoped3A : memref<!tpu.dma_semaphore, #tpu.memory_space<semaphore_mem>>)
      %dma_wait3A_77 = tpu.memref_slice %arg4[%mul3A_66] : memref<1402368xf32, #tpu.memory_space<hbm>> -> memref<14608xf32, #tpu.memory_space<hbm>>
      %dma_wait3A_78 = tpu.memref_slice %arg4[%mul3A_66] : memref<1402368xf32, #tpu.memory_space<hbm>> -> memref<14608xf32, #tpu.memory_space<hbm>>
      tpu.wait_dma2 semaphore(%run_scoped3A : memref<!tpu.dma_semaphore, #tpu.memory_space<semaphore_mem>>) src(%arg8 : memref<14608xf32, #tpu.memory_space<vmem>>) dst(%dma_wait3A_78 : memref<14608xf32, #tpu.memory_space<hbm>>)
      tpu.yield
    }) : () -> ()
    %mul3A_67 = arith.constant 14608 : i32
    %mul3A_68 = arith.muli %add3A, %mul3A_67 : i32
    %add3A_69 = arith.constant 467456 : i32
    %add3A_70 = arith.addi %add3A_69, %mul3A_68 : i32
    "tpu.region"() ({
      %run_scoped3A = tpu.sem_alloc : memref<!tpu.dma_semaphore, #tpu.memory_space<semaphore_mem>>
      %dma_start3A_75 = tpu.memref_slice %arg4[%add3A_70] : memref<1402368xf32, #tpu.memory_space<hbm>> -> memref<14608xf32, #tpu.memory_space<hbm>>
      %dma_start3A_76 = tpu.memref_slice %arg4[%add3A_70] : memref<1402368xf32, #tpu.memory_space<hbm>> -> memref<14608xf32, #tpu.memory_space<hbm>>
      tpu.enqueue_dma source(%arg9 : memref<14608xf32, #tpu.memory_space<vmem>>) target(%dma_start3A_76 : memref<14608xf32, #tpu.memory_space<hbm>>) target_semaphore(%run_scoped3A : memref<!tpu.dma_semaphore, #tpu.memory_space<semaphore_mem>>)
      %dma_wait3A_77 = tpu.memref_slice %arg4[%add3A_70] : memref<1402368xf32, #tpu.memory_space<hbm>> -> memref<14608xf32, #tpu.memory_space<hbm>>
      %dma_wait3A_78 = tpu.memref_slice %arg4[%add3A_70] : memref<1402368xf32, #tpu.memory_space<hbm>> -> memref<14608xf32, #tpu.memory_space<hbm>>
      tpu.wait_dma2 semaphore(%run_scoped3A : memref<!tpu.dma_semaphore, #tpu.memory_space<semaphore_mem>>) src(%arg9 : memref<14608xf32, #tpu.memory_space<vmem>>) dst(%dma_wait3A_78 : memref<14608xf32, #tpu.memory_space<hbm>>)
      tpu.yield
    }) : () -> ()
    %mul3A_71 = arith.constant 14608 : i32
    %mul3A_72 = arith.muli %add3A, %mul3A_71 : i32
    %add3A_73 = arith.constant 934912 : i32
    %add3A_74 = arith.addi %add3A_73, %mul3A_72 : i32
    "tpu.region"() ({
      %run_scoped3A = tpu.sem_alloc : memref<!tpu.dma_semaphore, #tpu.memory_space<semaphore_mem>>
      %dma_start3A_75 = tpu.memref_slice %arg4[%add3A_74] : memref<1402368xf32, #tpu.memory_space<hbm>> -> memref<14608xf32, #tpu.memory_space<hbm>>
      %dma_start3A_76 = tpu.memref_slice %arg4[%add3A_74] : memref<1402368xf32, #tpu.memory_space<hbm>> -> memref<14608xf32, #tpu.memory_space<hbm>>
      tpu.enqueue_dma source(%arg10 : memref<14608xf32, #tpu.memory_space<vmem>>) target(%dma_start3A_76 : memref<14608xf32, #tpu.memory_space<hbm>>) target_semaphore(%run_scoped3A : memref<!tpu.dma_semaphore, #tpu.memory_space<semaphore_mem>>)
      %dma_wait3A_77 = tpu.memref_slice %arg4[%add3A_74] : memref<1402368xf32, #tpu.memory_space<hbm>> -> memref<14608xf32, #tpu.memory_space<hbm>>
      %dma_wait3A_78 = tpu.memref_slice %arg4[%add3A_74] : memref<1402368xf32, #tpu.memory_space<hbm>> -> memref<14608xf32, #tpu.memory_space<hbm>>
      tpu.wait_dma2 semaphore(%run_scoped3A : memref<!tpu.dma_semaphore, #tpu.memory_space<semaphore_mem>>) src(%arg10 : memref<14608xf32, #tpu.memory_space<vmem>>) dst(%dma_wait3A_78 : memref<14608xf32, #tpu.memory_space<hbm>>)
      tpu.yield
    }) : () -> ()
    return
  }
}

module attributes {stable_mosaic.version = 14 : i64} {
  func.func @_pair_body(%arg0: i32, %arg1: i32, %arg2: memref<3x3xf32, #tpu.memory_space<smem>>, %arg3: memref<256x3xf32, #tpu.memory_space<vmem>>, %arg4: memref<3x256xf32, #tpu.memory_space<vmem>>, %arg5: memref<256x1xi32, #tpu.memory_space<vmem>>, %arg6: memref<1x256xi32, #tpu.memory_space<vmem>>, %arg7: memref<1x256x256xi32, #tpu.memory_space<vmem>>) attributes {dimension_semantics = [#tpu.dimension_semantics<parallel>, #tpu.dimension_semantics<arbitrary>], iteration_bounds = array<i64: 8, 8>, scalar_prefetch = 0 : i64, scratch_operands = 0 : i64, tpu.core_type = #tpu.core_type<tc>, window_params = [{transform_indices = @transform_0, window_bounds = array<i64: 3, 3>}, {transform_indices = @transform_1, window_bounds = array<i64: 256, 3>}, {transform_indices = @transform_2, window_bounds = array<i64: 3, 256>}, {transform_indices = @transform_3, window_bounds = array<i64: 256, 1>}, {transform_indices = @transform_4, window_bounds = array<i64: 1, 256>}, {transform_indices = @transform_5, window_bounds = array<i64: 1, 256, 256>}]} {
    %get3A = arith.constant 0 : index
    %get3A_0 = arith.constant 0 : index
    %get3A_1 = vector.load %arg3[%get3A, %get3A_0] : memref<256x3xf32, #tpu.memory_space<vmem>>, vector<256x3xf32>
    %get3A_2 = arith.constant 0 : index
    %get3A_3 = arith.constant 0 : index
    %get3A_4 = vector.load %arg4[%get3A_2, %get3A_3] : memref<3x256xf32, #tpu.memory_space<vmem>>, vector<3x256xf32>
    %slice3A = vector.extract_strided_slice %get3A_1 {offsets = [0, 0], sizes = [256, 1], strides = [1, 1]} : vector<256x3xf32> to vector<256x1xf32>
    %slice3A_5 = vector.extract_strided_slice %get3A_4 {offsets = [0, 0], sizes = [1, 256], strides = [1, 1]} : vector<3x256xf32> to vector<1x256xf32>
    %sub3A = vector.broadcast %slice3A : vector<256x1xf32> to vector<256x256xf32>
    %sub3A_6 = vector.broadcast %slice3A_5 : vector<1x256xf32> to vector<256x256xf32>
    %sub3A_7 = arith.subf %sub3A, %sub3A_6 : vector<256x256xf32>
    %slice3A_8 = vector.extract_strided_slice %get3A_1 {offsets = [0, 1], sizes = [256, 1], strides = [1, 1]} : vector<256x3xf32> to vector<256x1xf32>
    %slice3A_9 = vector.extract_strided_slice %get3A_4 {offsets = [1, 0], sizes = [1, 256], strides = [1, 1]} : vector<3x256xf32> to vector<1x256xf32>
    %sub3A_10 = vector.broadcast %slice3A_8 : vector<256x1xf32> to vector<256x256xf32>
    %sub3A_11 = vector.broadcast %slice3A_9 : vector<1x256xf32> to vector<256x256xf32>
    %sub3A_12 = arith.subf %sub3A_10, %sub3A_11 : vector<256x256xf32>
    %slice3A_13 = vector.extract_strided_slice %get3A_1 {offsets = [0, 2], sizes = [256, 1], strides = [1, 1]} : vector<256x3xf32> to vector<256x1xf32>
    %slice3A_14 = vector.extract_strided_slice %get3A_4 {offsets = [2, 0], sizes = [1, 256], strides = [1, 1]} : vector<3x256xf32> to vector<1x256xf32>
    %sub3A_15 = vector.broadcast %slice3A_13 : vector<256x1xf32> to vector<256x256xf32>
    %sub3A_16 = vector.broadcast %slice3A_14 : vector<1x256xf32> to vector<256x256xf32>
    %sub3A_17 = arith.subf %sub3A_15, %sub3A_16 : vector<256x256xf32>
    %round3A = math.roundeven %sub3A_7 : vector<256x256xf32>
    %sub3A_18 = arith.subf %sub3A_7, %round3A : vector<256x256xf32>
    %convert_element_type3A = arith.truncf %sub3A_18 : vector<256x256xf32> to vector<256x256xbf16>
    %convert_element_type3A_19 = arith.extf %convert_element_type3A : vector<256x256xbf16> to vector<256x256xf32>
    %round3A_20 = math.roundeven %sub3A_12 : vector<256x256xf32>
    %sub3A_21 = arith.subf %sub3A_12, %round3A_20 : vector<256x256xf32>
    %convert_element_type3A_22 = arith.truncf %sub3A_21 : vector<256x256xf32> to vector<256x256xbf16>
    %convert_element_type3A_23 = arith.extf %convert_element_type3A_22 : vector<256x256xbf16> to vector<256x256xf32>
    %round3A_24 = math.roundeven %sub3A_17 : vector<256x256xf32>
    %sub3A_25 = arith.subf %sub3A_17, %round3A_24 : vector<256x256xf32>
    %convert_element_type3A_26 = arith.truncf %sub3A_25 : vector<256x256xf32> to vector<256x256xbf16>
    %convert_element_type3A_27 = arith.extf %convert_element_type3A_26 : vector<256x256xbf16> to vector<256x256xf32>
    %get3A_28 = arith.constant 0 : index
    %get3A_29 = arith.constant 0 : index
    %get3A_30 = memref.load %arg2[%get3A_28, %get3A_29] : memref<3x3xf32, #tpu.memory_space<smem>>
    %mul3A = vector.broadcast %get3A_30 : f32 to vector<256x256xf32>
    %mul3A_31 = arith.mulf %convert_element_type3A_19, %mul3A : vector<256x256xf32>
    %get3A_32 = arith.constant 1 : index
    %get3A_33 = arith.constant 1 : index
    %get3A_34 = memref.load %arg2[%get3A_32, %get3A_33] : memref<3x3xf32, #tpu.memory_space<smem>>
    %mul3A_35 = vector.broadcast %get3A_34 : f32 to vector<256x256xf32>
    %mul3A_36 = arith.mulf %convert_element_type3A_23, %mul3A_35 : vector<256x256xf32>
    %get3A_37 = arith.constant 2 : index
    %get3A_38 = arith.constant 2 : index
    %get3A_39 = memref.load %arg2[%get3A_37, %get3A_38] : memref<3x3xf32, #tpu.memory_space<smem>>
    %mul3A_40 = vector.broadcast %get3A_39 : f32 to vector<256x256xf32>
    %mul3A_41 = arith.mulf %convert_element_type3A_27, %mul3A_40 : vector<256x256xf32>
    %mul3A_42 = arith.mulf %mul3A_31, %mul3A_31 : vector<256x256xf32>
    %mul3A_43 = arith.mulf %mul3A_36, %mul3A_36 : vector<256x256xf32>
    %add3A = arith.addf %mul3A_42, %mul3A_43 : vector<256x256xf32>
    %mul3A_44 = arith.mulf %mul3A_41, %mul3A_41 : vector<256x256xf32>
    %add3A_45 = arith.addf %add3A, %mul3A_44 : vector<256x256xf32>
    %add3A_46 = arith.constant 9.99999996E-13 : f32
    %add3A_47 = vector.broadcast %add3A_46 : f32 to vector<256x256xf32>
    %add3A_48 = arith.addf %add3A_45, %add3A_47 : vector<256x256xf32>
    %sqrt3A = math.sqrt %add3A_48 : vector<256x256xf32>
    %mul3A_49 = arith.constant 256 : i32
    %mul3A_50 = arith.muli %arg0, %mul3A_49 : i32
    %iota3A = tpu.iota {dimensions = array<i32: 0>} : vector<256x256xi32>
    %add3A_51 = vector.broadcast %mul3A_50 : i32 to vector<256x256xi32>
    %add3A_52 = arith.addi %add3A_51, %iota3A : vector<256x256xi32>
    %mul3A_53 = arith.constant 256 : i32
    %mul3A_54 = arith.muli %arg1, %mul3A_53 : i32
    %iota3A_55 = tpu.iota {dimensions = array<i32: 1>} : vector<256x256xi32>
    %add3A_56 = vector.broadcast %mul3A_54 : i32 to vector<256x256xi32>
    %add3A_57 = arith.addi %add3A_56, %iota3A_55 : vector<256x256xi32>
    %mul3A_58 = arith.constant 8.000000e+01 : f32
    %mul3A_59 = vector.broadcast %mul3A_58 : f32 to vector<256x256xf32>
    %mul3A_60 = arith.mulf %sqrt3A, %mul3A_59 : vector<256x256xf32>
    %min3A = arith.constant 8.880000e+02 : f32
    %min3A_61 = vector.broadcast %min3A : f32 to vector<256x256xf32>
    %min3A_62 = arith.minimumf %mul3A_60, %min3A_61 : vector<256x256xf32>
    %convert_element_type3A_63 = arith.fptosi %min3A_62 : vector<256x256xf32> to vector<256x256xi32>
    %convert_element_type3A_64 = arith.sitofp %convert_element_type3A_63 : vector<256x256xi32> to vector<256x256xf32>
    %sub3A_65 = arith.subf %min3A_62, %convert_element_type3A_64 : vector<256x256xf32>
    %mul3A_66 = arith.constant 1.024000e+03 : f32
    %mul3A_67 = vector.broadcast %mul3A_66 : f32 to vector<256x256xf32>
    %mul3A_68 = arith.mulf %sub3A_65, %mul3A_67 : vector<256x256xf32>
    %convert_element_type3A_69 = arith.fptosi %mul3A_68 : vector<256x256xf32> to vector<256x256xi32>
    %min3A_70 = arith.constant 1023 : i32
    %min3A_71 = vector.broadcast %min3A_70 : i32 to vector<256x256xi32>
    %min3A_72 = arith.minsi %convert_element_type3A_69, %min3A_71 : vector<256x256xi32>
    %iota3A_73 = tpu.iota {dimensions = array<i32: 1>} : vector<256x256xi32>
    %jit3A = arith.constant 16 : i32
    %eq3A = arith.constant 0 : i32
    %eq3A_74 = arith.cmpi eq, %jit3A, %eq3A : i32
    %jit3A_75 = arith.constant 1 : i32
    %select_n3A = arith.select %eq3A_74, %jit3A_75, %jit3A : i32
    %rem3A = vector.broadcast %select_n3A : i32 to vector<256x256xi32>
    %rem3A_76 = arith.remsi %iota3A_73, %rem3A : vector<256x256xi32>
    %ne3A = arith.constant 0 : i32
    %ne3A_77 = vector.broadcast %ne3A : i32 to vector<256x256xi32>
    %ne3A_78 = arith.cmpi ne, %rem3A_76, %ne3A_77 : vector<256x256xi32>
    %lt3A = arith.constant 0 : i32
    %lt3A_79 = vector.broadcast %lt3A : i32 to vector<256x256xi32>
    %lt3A_80 = arith.cmpi slt, %rem3A_76, %lt3A_79 : vector<256x256xi32>
    %lt3A_81 = arith.constant 0 : i32
    %lt3A_82 = arith.cmpi slt, %select_n3A, %lt3A_81 : i32
    %ne3A_83 = vector.broadcast %lt3A_82 : i1 to vector<256x256xi1>
    %ne3A_84 = vector.broadcast %ne3A_83 : vector<256x256xi1> to vector<256x256xi1>
    %ne3A_85 = arith.xori %lt3A_80, %ne3A_84 : vector<256x256xi1>
    %and3A = arith.andi %ne3A_85, %ne3A_78 : vector<256x256xi1>
    %add3A_86 = vector.broadcast %select_n3A : i32 to vector<256x256xi32>
    %add3A_87 = arith.addi %rem3A_76, %add3A_86 : vector<256x256xi32>
    %select_n3A_88 = arith.select %and3A, %add3A_87, %rem3A_76 : vector<256x256xi1>, vector<256x256xi32>
    %lt3A_89 = arith.cmpi slt, %add3A_52, %add3A_57 : vector<256x256xi32>
    %get3A_90 = arith.constant 0 : index
    %get3A_91 = arith.constant 0 : index
    %get3A_92 = vector.load %arg5[%get3A_90, %get3A_91] : memref<256x1xi32, #tpu.memory_space<vmem>>, vector<256x1xi32>
    %mul3A_93 = arith.constant 3 : i32
    %mul3A_94 = vector.broadcast %mul3A_93 : i32 to vector<256x1xi32>
    %mul3A_95 = arith.muli %get3A_92, %mul3A_94 : vector<256x1xi32>
    %get3A_96 = arith.constant 0 : index
    %get3A_97 = arith.constant 0 : index
    %get3A_98 = vector.load %arg6[%get3A_96, %get3A_97] : memref<1x256xi32, #tpu.memory_space<vmem>>, vector<1x256xi32>
    %add3A_99 = vector.broadcast %mul3A_95 : vector<256x1xi32> to vector<256x256xi32>
    %add3A_100 = vector.broadcast %get3A_98 : vector<1x256xi32> to vector<256x256xi32>
    %add3A_101 = arith.addi %add3A_99, %add3A_100 : vector<256x256xi32>
    %jit3A_102 = arith.constant 9 : i32
    %broadcast_in_dim3A = vector.broadcast %jit3A_102 : i32 to vector<256x256xi32>
    %select_n3A_103 = arith.select %lt3A_89, %add3A_101, %broadcast_in_dim3A : vector<256x256xi1>, vector<256x256xi32>
    %mul3A_104 = arith.constant 913 : i32
    %mul3A_105 = vector.broadcast %mul3A_104 : i32 to vector<256x256xi32>
    %mul3A_106 = arith.muli %select_n3A_88, %mul3A_105 : vector<256x256xi32>
    %add3A_107 = arith.addi %convert_element_type3A_63, %mul3A_106 : vector<256x256xi32>
    %shift_left3A = arith.constant 14 : i32
    %shift_left3A_108 = vector.broadcast %shift_left3A : i32 to vector<256x256xi32>
    %shift_left3A_109 = arith.shli %min3A_72, %shift_left3A_108 : vector<256x256xi32>
    %or3A = arith.ori %add3A_107, %shift_left3A_109 : vector<256x256xi32>
    %shift_left3A_110 = arith.constant 24 : i32
    %shift_left3A_111 = vector.broadcast %shift_left3A_110 : i32 to vector<256x256xi32>
    %shift_left3A_112 = arith.shli %select_n3A_103, %shift_left3A_111 : vector<256x256xi32>
    %or3A_113 = arith.ori %or3A, %shift_left3A_112 : vector<256x256xi32>
    %swap3A = arith.constant 0 : index
    %swap3A_114 = arith.constant 0 : index
    %swap3A_115 = arith.constant 0 : index
    %swap3A_116 = vector.load %arg7[%swap3A, %swap3A_114, %swap3A_115] : memref<1x256x256xi32, #tpu.memory_space<vmem>>, vector<1x256x256xi32>
    %swap3A_117 = vector.shape_cast %swap3A_116 : vector<1x256x256xi32> to vector<256x256xi32>
    %swap3A_118 = vector.shape_cast %or3A_113 : vector<256x256xi32> to vector<1x256x256xi32>
    tpu.vector_store %arg7[%swap3A, %swap3A_114, %swap3A_115], %swap3A_118 {strides = array<i32>} : memref<1x256x256xi32, #tpu.memory_space<vmem>>, vector<1x256x256xi32>,
    return
  }
  func.func @transform_0(%arg0: i32, %arg1: i32) -> (i32, i32) {
    %c0_i32 = arith.constant 0 : i32
    %c0_i32_0 = arith.constant 0 : i32
    %c0_i32_1 = arith.constant 0 : i32
    return %c0_i32, %c0_i32_0 : i32, i32
  }
  func.func @transform_1(%arg0: i32, %arg1: i32) -> (i32, i32) {
    %c0_i32 = arith.constant 0 : i32
    %c0_i32_0 = arith.constant 0 : i32
    return %arg0, %c0_i32 : i32, i32
  }
  func.func @transform_2(%arg0: i32, %arg1: i32) -> (i32, i32) {
    %c0_i32 = arith.constant 0 : i32
    %c0_i32_0 = arith.constant 0 : i32
    return %c0_i32, %arg1 : i32, i32
  }
  func.func @transform_3(%arg0: i32, %arg1: i32) -> (i32, i32) {
    %c0_i32 = arith.constant 0 : i32
    %c0_i32_0 = arith.constant 0 : i32
    return %arg0, %c0_i32 : i32, i32
  }
  func.func @transform_4(%arg0: i32, %arg1: i32) -> (i32, i32) {
    %c0_i32 = arith.constant 0 : i32
    %c0_i32_0 = arith.constant 0 : i32
    return %c0_i32, %arg1 : i32, i32
  }
  func.func @transform_5(%arg0: i32, %arg1: i32) -> (i32, i32, i32) {
    %mul3A = arith.constant 8 : i32
    %mul3A_0 = arith.muli %arg0, %mul3A : i32
    %sub3A = arith.constant 1 : i32
    %sub3A_1 = arith.subi %arg0, %sub3A : i32
    %mul3A_2 = arith.muli %arg0, %sub3A_1 : i32
    %jit3A = arith.constant 2 : i32
    %div3A = arith.divsi %mul3A_2, %jit3A : i32
    %sign3A = arith.constant 0 : i32
    %sign3A_3 = arith.cmpi sgt, %mul3A_2, %sign3A : i32
    %sign3A_4 = arith.extui %sign3A_3 : i1 to i32
    %sign3A_5 = arith.constant 0 : i32
    %sign3A_6 = arith.cmpi slt, %mul3A_2, %sign3A_5 : i32
    %sign3A_7 = arith.extui %sign3A_6 : i1 to i32
    %sign3A_8 = arith.subi %sign3A_4, %sign3A_7 : i32
    %sign3A_9 = arith.constant 0 : i32
    %sign3A_10 = arith.cmpi sgt, %jit3A, %sign3A_9 : i32
    %sign3A_11 = arith.extui %sign3A_10 : i1 to i32
    %sign3A_12 = arith.constant 0 : i32
    %sign3A_13 = arith.cmpi slt, %jit3A, %sign3A_12 : i32
    %sign3A_14 = arith.extui %sign3A_13 : i1 to i32
    %sign3A_15 = arith.subi %sign3A_11, %sign3A_14 : i32
    %ne3A = arith.cmpi ne, %sign3A_8, %sign3A_15 : i32
    %rem3A = arith.remsi %mul3A_2, %jit3A : i32
    %ne3A_16 = arith.constant 0 : i32
    %ne3A_17 = arith.cmpi ne, %rem3A, %ne3A_16 : i32
    %and3A = arith.andi %ne3A, %ne3A_17 : i1
    %sub3A_18 = arith.constant 1 : i32
    %sub3A_19 = arith.subi %div3A, %sub3A_18 : i32
    %select_n3A = arith.select %and3A, %sub3A_19, %div3A : i32
    %sub3A_20 = arith.subi %mul3A_0, %select_n3A : i32
    %sub3A_21 = arith.subi %arg1, %arg0 : i32
    %add3A = arith.addi %sub3A_20, %sub3A_21 : i32
    %ge3A = arith.cmpi sge, %arg1, %arg0 : i32
    %jit3A_22 = arith.constant 36 : i32
    %select_n3A_23 = arith.select %ge3A, %add3A, %jit3A_22 : i32
    %c0_i32 = arith.constant 0 : i32
    %c0_i32_24 = arith.constant 0 : i32
    %c0_i32_25 = arith.constant 0 : i32
    return %select_n3A_23, %c0_i32, %c0_i32_24 : i32, i32, i32
  }
}

module attributes {stable_mosaic.version = 14 : i64} {
  func.func @_finalize_body(%arg0: memref<2xf32, #tpu.memory_space<smem>>, %arg1: memref<3x512x913xf32, #tpu.memory_space<vmem>>, %arg2: memref<200x1xf32, #tpu.memory_space<vmem>>, %arg3: memref<1x300xf32, #tpu.memory_space<vmem>>, %arg4: memref<200x1xf32, #tpu.memory_space<vmem>>, %arg5: memref<200x1xf32, #tpu.memory_space<vmem>>, %arg6: memref<1x300xf32, #tpu.memory_space<vmem>>, %arg7: memref<1x300xf32, #tpu.memory_space<vmem>>) attributes {dimension_semantics = [], scalar_prefetch = 0 : i64, scratch_operands = 0 : i64, tpu.core_type = #tpu.core_type<tc>} {
    %get3A = arith.constant 0 : index
    %get3A_0 = memref.load %arg0[%get3A] : memref<2xf32, #tpu.memory_space<smem>>
    %get3A_1 = arith.constant 1 : index
    %get3A_2 = memref.load %arg0[%get3A_1] : memref<2xf32, #tpu.memory_space<smem>>
    %mul3A = arith.constant 2.000000e+00 : f32
    %mul3A_3 = arith.constant 3.14159274 : f32
    %mul3A_4 = arith.mulf %mul3A, %mul3A_3 : f32
    %sqrt3A = math.sqrt %mul3A_4 : f32
    %mul3A_5 = arith.constant 1.000000e-01 : f32
    %mul3A_6 = arith.mulf %mul3A_5, %sqrt3A : f32
    %div3A = arith.constant 1.000000e+00 : f32
    %div3A_7 = arith.divf %div3A, %mul3A_6 : f32
    %get3A_8 = arith.constant 0 : index
    %get3A_9 = arith.constant 0 : index
    %get3A_10 = arith.constant 0 : index
    %get3A_11 = vector.load %arg1[%get3A_8, %get3A_9, %get3A_10] : memref<3x512x913xf32, #tpu.memory_space<vmem>>, vector<1x512x913xf32>
    %get3A_12 = vector.shape_cast %get3A_11 : vector<1x512x913xf32> to vector<512x913xf32>
    %reduce_sum3A = arith.constant dense<0.000000e+00> : vector<913xf32>
    %reduce_sum3A_13 = vector.multi_reduction <add>, %get3A_12, %reduce_sum3A [0] : vector<512x913xf32> to vector<913xf32>
    %reshape3A = vector.shape_cast %reduce_sum3A_13 : vector<913xf32> to vector<1x913xf32>
    %get3A_14 = arith.constant 1 : index
    %get3A_15 = arith.constant 0 : index
    %get3A_16 = arith.constant 0 : index
    %get3A_17 = vector.load %arg1[%get3A_14, %get3A_15, %get3A_16] : memref<3x512x913xf32, #tpu.memory_space<vmem>>, vector<1x512x913xf32>
    %get3A_18 = vector.shape_cast %get3A_17 : vector<1x512x913xf32> to vector<512x913xf32>
    %reduce_sum3A_19 = arith.constant dense<0.000000e+00> : vector<913xf32>
    %reduce_sum3A_20 = vector.multi_reduction <add>, %get3A_18, %reduce_sum3A_19 [0] : vector<512x913xf32> to vector<913xf32>
    %reshape3A_21 = vector.shape_cast %reduce_sum3A_20 : vector<913xf32> to vector<1x913xf32>
    %get3A_22 = arith.constant 2 : index
    %get3A_23 = arith.constant 0 : index
    %get3A_24 = arith.constant 0 : index
    %get3A_25 = vector.load %arg1[%get3A_22, %get3A_23, %get3A_24] : memref<3x512x913xf32, #tpu.memory_space<vmem>>, vector<1x512x913xf32>
    %get3A_26 = vector.shape_cast %get3A_25 : vector<1x512x913xf32> to vector<512x913xf32>
    %reduce_sum3A_27 = arith.constant dense<0.000000e+00> : vector<913xf32>
    %reduce_sum3A_28 = vector.multi_reduction <add>, %get3A_26, %reduce_sum3A_27 [0] : vector<512x913xf32> to vector<913xf32>
    %reshape3A_29 = vector.shape_cast %reduce_sum3A_28 : vector<913xf32> to vector<1x913xf32>
    %get3A_30 = arith.constant 0 : index
    %get3A_31 = arith.constant 0 : index
    %get3A_32 = vector.load %arg2[%get3A_30, %get3A_31] : memref<200x1xf32, #tpu.memory_space<vmem>>, vector<200x1xf32>
    %get3A_33 = arith.constant 0 : index
    %get3A_34 = arith.constant 0 : index
    %get3A_35 = vector.load %arg3[%get3A_33, %get3A_34] : memref<1x300xf32, #tpu.memory_space<vmem>>, vector<1x300xf32>
    %iota3A = tpu.iota {dimensions = array<i32: 1>} : vector<1x913xi32>
    %convert_element_type3A = arith.sitofp %iota3A : vector<1x913xi32> to vector<1x913xf32>
    %add3A = arith.constant 5.000000e-01 : f32
    %add3A_36 = vector.broadcast %add3A : f32 to vector<1x913xf32>
    %add3A_37 = arith.addf %convert_element_type3A, %add3A_36 : vector<1x913xf32>
    %mul3A_38 = arith.constant 1.250000e-02 : f32
    %mul3A_39 = vector.broadcast %mul3A_38 : f32 to vector<1x913xf32>
    %mul3A_40 = arith.mulf %add3A_37, %mul3A_39 : vector<1x913xf32>
    %sub3A = vector.broadcast %get3A_32 : vector<200x1xf32> to vector<200x913xf32>
    %sub3A_41 = vector.broadcast %mul3A_40 : vector<1x913xf32> to vector<200x913xf32>
    %sub3A_42 = arith.subf %sub3A, %sub3A_41 : vector<200x913xf32>
    %mul3A_43 = arith.mulf %sub3A_42, %sub3A_42 : vector<200x913xf32>
    %mul3A_44 = arith.constant -5.000000e-01 : f32
    %mul3A_45 = vector.broadcast %mul3A_44 : f32 to vector<200x913xf32>
    %mul3A_46 = arith.mulf %mul3A_45, %mul3A_43 : vector<200x913xf32>
    %mul3A_47 = arith.constant 1.000000e+02 : f32
    %mul3A_48 = vector.broadcast %mul3A_47 : f32 to vector<200x913xf32>
    %mul3A_49 = arith.mulf %mul3A_46, %mul3A_48 : vector<200x913xf32>
    %exp3A = math.exp %mul3A_49 : vector<200x913xf32>
    %mul3A_50 = arith.constant 1.000000e+02 : f32
    %mul3A_51 = vector.broadcast %mul3A_50 : f32 to vector<200x913xf32>
    %mul3A_52 = arith.mulf %sub3A_42, %mul3A_51 : vector<200x913xf32>
    %mul3A_53 = vector.broadcast %reshape3A_21 : vector<1x913xf32> to vector<200x913xf32>
    %mul3A_54 = arith.mulf %mul3A_53, %mul3A_52 : vector<200x913xf32>
    %add3A_55 = vector.broadcast %reshape3A : vector<1x913xf32> to vector<200x913xf32>
    %add3A_56 = arith.addf %add3A_55, %mul3A_54 : vector<200x913xf32>
    %mul3A_57 = arith.mulf %sub3A_42, %sub3A_42 : vector<200x913xf32>
    %mul3A_58 = arith.constant 1.000000e+04 : f32
    %mul3A_59 = vector.broadcast %mul3A_58 : f32 to vector<200x913xf32>
    %mul3A_60 = arith.mulf %mul3A_57, %mul3A_59 : vector<200x913xf32>
    %sub3A_61 = arith.constant 1.000000e+02 : f32
    %sub3A_62 = vector.broadcast %sub3A_61 : f32 to vector<200x913xf32>
    %sub3A_63 = arith.subf %mul3A_60, %sub3A_62 : vector<200x913xf32>
    %mul3A_64 = arith.constant 5.000000e-01 : f32
    %mul3A_65 = vector.broadcast %mul3A_64 : f32 to vector<200x913xf32>
    %mul3A_66 = arith.mulf %mul3A_65, %sub3A_63 : vector<200x913xf32>
    %mul3A_67 = vector.broadcast %reshape3A_29 : vector<1x913xf32> to vector<200x913xf32>
    %mul3A_68 = arith.mulf %mul3A_67, %mul3A_66 : vector<200x913xf32>
    %add3A_69 = arith.addf %add3A_56, %mul3A_68 : vector<200x913xf32>
    %lt3A = arith.constant 872 : i32
    %lt3A_70 = vector.broadcast %lt3A : i32 to vector<1x913xi32>
    %lt3A_71 = arith.cmpi slt, %iota3A, %lt3A_70 : vector<1x913xi32>
    %mul3A_72 = arith.mulf %exp3A, %add3A_69 : vector<200x913xf32>
    %jit3A = arith.constant 0.000000e+00 : f32
    %broadcast_in_dim3A = vector.shape_cast %lt3A_71 : vector<1x913xi1> to vector<1x913xi1>
    %broadcast_in_dim3A_73 = vector.broadcast %broadcast_in_dim3A : vector<1x913xi1> to vector<200x913xi1>
    %broadcast_in_dim3A_74 = vector.broadcast %jit3A : f32 to vector<200x913xf32>
    %select_n3A = arith.select %broadcast_in_dim3A_73, %mul3A_72, %broadcast_in_dim3A_74 : vector<200x913xi1>, vector<200x913xf32>
    %reduce_sum3A_75 = arith.constant dense<0.000000e+00> : vector<200xf32>
    %reduce_sum3A_76 = vector.multi_reduction <add>, %select_n3A, %reduce_sum3A_75 [1] : vector<200x913xf32> to vector<200xf32>
    %broadcast_in_dim3A_77 = vector.shape_cast %reduce_sum3A_76 : vector<200xf32> to vector<200x1xf32>
    %mul3A_78 = arith.constant 2.000000e+00 : f32
    %mul3A_79 = arith.mulf %mul3A_78, %div3A_7 : f32
    %mul3A_80 = vector.broadcast %mul3A_79 : f32 to vector<200x1xf32>
    %mul3A_81 = arith.mulf %broadcast_in_dim3A_77, %mul3A_80 : vector<200x1xf32>
    %mul3A_82 = arith.constant 12.566371 : f32
    %mul3A_83 = vector.broadcast %mul3A_82 : f32 to vector<200x1xf32>
    %mul3A_84 = arith.mulf %mul3A_83, %get3A_32 : vector<200x1xf32>
    %mul3A_85 = arith.mulf %mul3A_84, %get3A_32 : vector<200x1xf32>
    %mul3A_86 = vector.broadcast %get3A_0 : f32 to vector<200x1xf32>
    %mul3A_87 = arith.mulf %mul3A_85, %mul3A_86 : vector<200x1xf32>
    %mul3A_88 = arith.constant 2.048000e+03 : f32
    %mul3A_89 = vector.broadcast %mul3A_88 : f32 to vector<200x1xf32>
    %mul3A_90 = arith.mulf %mul3A_87, %mul3A_89 : vector<200x1xf32>
    %div3A_91 = arith.divf %mul3A_81, %mul3A_90 : vector<200x1xf32>
    %mul3A_92 = arith.constant 12.566371 : f32
    %mul3A_93 = arith.mulf %mul3A_92, %get3A_0 : f32
    %mul3A_94 = vector.broadcast %mul3A_93 : f32 to vector<200x1xf32>
    %mul3A_95 = arith.mulf %mul3A_94, %get3A_32 : vector<200x1xf32>
    %sub3A_96 = arith.constant 1.000000e+00 : f32
    %sub3A_97 = vector.broadcast %sub3A_96 : f32 to vector<200x1xf32>
    %sub3A_98 = arith.subf %div3A_91, %sub3A_97 : vector<200x1xf32>
    %mul3A_99 = arith.mulf %mul3A_95, %sub3A_98 : vector<200x1xf32>
    %swap3A = arith.constant 0 : index
    %swap3A_100 = arith.constant 0 : index
    %swap3A_101 = vector.load %arg4[%swap3A, %swap3A_100] : memref<200x1xf32, #tpu.memory_space<vmem>>, vector<200x1xf32>
    tpu.vector_store %arg4[%swap3A, %swap3A_100], %mul3A_99 {strides = array<i32>} : memref<200x1xf32, #tpu.memory_space<vmem>>, vector<200x1xf32>,
    %mul3A_102 = arith.constant 12.566371 : f32
    %mul3A_103 = arith.mulf %mul3A_102, %get3A_0 : f32
    %mul3A_104 = vector.broadcast %mul3A_103 : f32 to vector<200x1xf32>
    %mul3A_105 = arith.mulf %mul3A_104, %get3A_32 : vector<200x1xf32>
    %mul3A_106 = arith.mulf %mul3A_105, %div3A_91 : vector<200x1xf32>
    %swap3A_107 = arith.constant 0 : index
    %swap3A_108 = arith.constant 0 : index
    %swap3A_109 = vector.load %arg5[%swap3A_107, %swap3A_108] : memref<200x1xf32, #tpu.memory_space<vmem>>, vector<200x1xf32>
    tpu.vector_store %arg5[%swap3A_107, %swap3A_108], %mul3A_106 {strides = array<i32>} : memref<200x1xf32, #tpu.memory_space<vmem>>, vector<200x1xf32>,
    %sub3A_110 = arith.constant 1.000000e+00 : f32
    %sub3A_111 = vector.broadcast %sub3A_110 : f32 to vector<200x1xf32>
    %sub3A_112 = arith.subf %div3A_91, %sub3A_111 : vector<200x1xf32>
    %mul3A_113 = arith.mulf %get3A_32, %sub3A_112 : vector<200x1xf32>
    %mul3A_114 = vector.broadcast %get3A_32 : vector<200x1xf32> to vector<200x300xf32>
    %mul3A_115 = vector.broadcast %get3A_35 : vector<1x300xf32> to vector<200x300xf32>
    %mul3A_116 = arith.mulf %mul3A_114, %mul3A_115 : vector<200x300xf32>
    %sin3A = math.sin %mul3A_116 : vector<200x300xf32>
    %mul3A_117 = vector.broadcast %mul3A_113 : vector<200x1xf32> to vector<200x300xf32>
    %mul3A_118 = arith.mulf %mul3A_117, %sin3A : vector<200x300xf32>
    %div3A_119 = vector.broadcast %get3A_35 : vector<1x300xf32> to vector<200x300xf32>
    %div3A_120 = arith.divf %mul3A_118, %div3A_119 : vector<200x300xf32>
    %mul3A_121 = arith.constant 12.566371 : f32
    %mul3A_122 = arith.mulf %mul3A_121, %get3A_0 : f32
    %reduce_sum3A_123 = arith.constant dense<0.000000e+00> : vector<300xf32>
    %reduce_sum3A_124 = vector.multi_reduction <add>, %div3A_120, %reduce_sum3A_123 [0] : vector<200x300xf32> to vector<300xf32>
    %broadcast_in_dim3A_125 = vector.shape_cast %reduce_sum3A_124 : vector<300xf32> to vector<1x300xf32>
    %mul3A_126 = vector.broadcast %mul3A_122 : f32 to vector<1x300xf32>
    %mul3A_127 = arith.mulf %mul3A_126, %broadcast_in_dim3A_125 : vector<1x300xf32>
    %mul3A_128 = vector.broadcast %get3A_2 : f32 to vector<1x300xf32>
    %mul3A_129 = arith.mulf %mul3A_127, %mul3A_128 : vector<1x300xf32>
    %add3A_130 = arith.constant 1.000000e+00 : f32
    %add3A_131 = vector.broadcast %add3A_130 : f32 to vector<1x300xf32>
    %add3A_132 = arith.addf %add3A_131, %mul3A_129 : vector<1x300xf32>
    %swap3A_133 = arith.constant 0 : index
    %swap3A_134 = arith.constant 0 : index
    %swap3A_135 = vector.load %arg6[%swap3A_133, %swap3A_134] : memref<1x300xf32, #tpu.memory_space<vmem>>, vector<1x300xf32>
    tpu.vector_store %arg6[%swap3A_133, %swap3A_134], %add3A_132 {strides = array<i32>} : memref<1x300xf32, #tpu.memory_space<vmem>>, vector<1x300xf32>,
    %sub3A_136 = arith.constant 1.000000e+00 : f32
    %sub3A_137 = vector.broadcast %sub3A_136 : f32 to vector<1x300xf32>
    %sub3A_138 = arith.subf %add3A_132, %sub3A_137 : vector<1x300xf32>
    %mul3A_139 = arith.mulf %get3A_35, %sub3A_138 : vector<1x300xf32>
    %swap3A_140 = arith.constant 0 : index
    %swap3A_141 = arith.constant 0 : index
    %swap3A_142 = vector.load %arg7[%swap3A_140, %swap3A_141] : memref<1x300xf32, #tpu.memory_space<vmem>>, vector<1x300xf32>
    tpu.vector_store %arg7[%swap3A_140, %swap3A_141], %mul3A_139 {strides = array<i32>} : memref<1x300xf32, #tpu.memory_space<vmem>>, vector<1x300xf32>,
    return
  }
}

</mosaic_0001>

<sc_bundles>
// kernel: kernel.5.cloned.1.call-start
scs
__scs_entry_jumppad:
0x0: {  	(pc) =	sbr.rel $0x88, $3  }
0x1: {  	(tag) =	ssettag $0x0;
	lr =	simm.s32 $0x1  }
0x2: {  	[smem:$0x3F9C] =	sst lr;
	_ =	strace $0xD0000000  }
0x3: {  	_ = 	snop  }
0x4: {  	_ = 	snop  }
0x5: {  	_ = 	snop  }
0x6: {  	_ = 	snop  }
0x7: {  	_ = 	snop  }
__scs_overlays_trampoline_lowered:
0x8: {  	[smem:$0x3FAB] =	sst s0  }
0x9: {  	[smem:$0x3FAC] =	sst s1  }
0xa: {  	[smem:$0x3FAD] =	sst s2  }
0xb: {  	[smem:$0x3FAE] =	sst s3  }
0xc: {  	[smem:$0x3FAF] =	sst s4  }
0xd: {  	[smem:$0x3FB0] =	sst s5  }
0xe: {  	[smem:$0x3FB1] =	sst s6  }
0xf: {  	[smem:$0x3FB2] =	sst s7  }
0x10: {  	[smem:$0x3FB3] =	sst s8  }
0x11: {  	[smem:$0x3FB4] =	sst s9;
	s0 =	simm.s32 @!p0 $0x0  }
0x12: {  	s1 =	sld [smem:$0x3F9A];
	s0 =	simm.s32 @p0 $0x1  }
0x13: {  	[smem:$0x3FB5] =	sst s0;
	s0 =	simm.s32 @!p1 $0x0  }
0x14: {  	s2 =	sld [smem:$0x3F99];
	s0 =	simm.s32 @p1 $0x1  }
0x15: {  	[smem:$0x3FB6] =	sst s0;
	s0 =	simm.s32 @!p2 $0x0  }
0x16: {  	s3 =	sld [smem:$0x3FDB];
	s0 =	simm.s32 @p2 $0x1  }
0x17: {  	s4 =	simm.s32 $0x1BF5;
	[smem:$0x3FB8] =	sst s0  }
0x18: {  	s0 =	sld [smem:$0x3F9B];
	_ =	swait.ge [sflag:s4], $0x0  }
0x19: {  	s7 =	sld [smem:$0x3F9C]  }
0x1a: {  	s8 =	sadd.s32 $0xFFFFE003, lr  }
0x1b: {  	s9 =	sadd.s32 $0xFFFFFEF7, lr;
	s5 =	simm.s32 $0xFFFFFFFF;
	p2 =	slt.u32 s8, $0xFFFFF086  }
0x1c: {  	p1 =	slt.u32 s9, $0xF7A;
	s5 =	simm.s32 @!p2 $0x0  }
0x1d: {  	s5 =	simm.s32 @p1 $0x1;
	p0 =	seq.s32 s7, s2  }
0x1e: {  	s7 =	smul.u32 @!p0 $0xF7A, s2;
	p2 =	seq.s32 @!p0 s5, $0x0  }
0x1f: {  	s9 =	smul.u32 $0xF7A, s1;
	s8 =	simm.s32 @!p0 $0x1BF5;
	p2 =	por !p2, p0  }
0x20: {  	[sflag:s8] =	ssyncset.s32 @!p0 $0xFFFFF086;
	s6 =	sadd.s32 @!p0 s3, s7;
	s7 =	simm.s32 @!p0 $0x108  }
0x21: {  	s3 =	sadd.s32 s3, s9;
	s6 =	sadd.s32 @!p0 $0x88, s6;
	s7 =	simm.s32 @p2 $0x1082  }
0x22: {  	[simem:s7], [sflag:s8] =	dma.local @!p0 [hbm:s6], $0xF7A  }
0x23: {  	s9 =	sor.u32 $0xD0000000, s2;
	s6 =	simm.s32 $0x108;
	_ =	swait.ge @!p0 [sflag:s8], $0x0  }
0x24: {  	s3 =	sadd.s32 $0x88, s3;
	s6 =	simm.s32 @!p1 $0x1082;
	[sflag:s4] =	ssyncset.s32 $0xFFFFF086  }
0x25: {  	[simem:s6], [sflag:s4] =	dma.local [hbm:s3], $0xF7A  }
0x26: {  	[smem:$0x3F9C] =	sst s1;
	(tag) =	ssettag s2;
	_ =	strace s9  }
0x27: {  	s1 =	sld [smem:$0x3FAC]  }
0x28: {  	s2 =	sld [smem:$0x3FAD]  }
0x29: {  	s4 =	sld [smem:$0x3FAF]  }
0x2a: {  	p0 =	seq.s32 s5, $0x0;
	s5 =	sld [smem:$0x3FB0]  }
0x2b: {  	s6 =	sld [smem:$0x3FB1]  }
0x2c: {  	s7 =	sld [smem:$0x3FB2]  }
0x2d: {  	s3 =	simm.s32 $0x108;
	s8 =	sld [smem:$0x3FB3]  }
0x2e: {  	s3 =	simm.s32 @!p0 $0x1082;
	s9 =	sld [smem:$0x3FB4]  }
0x2f: {  	lr =	sadd.s32 s0, s3;
	s0 =	sld [smem:$0x3FAB]  }
0x30: {  	s3 =	sld [smem:$0x3FAE]  }
0x31: {  	[smem:$0x3FB7] =	sst s10  }
0x32: {  	s10 =	sld [smem:$0x3FB5];
	_ =	sdelay $0x3  }
0x33: {  	p0 =	seq.s32 s10, $0x1;
	s10 =	sld [smem:$0x3FB7];
	_ =	sdelay $0x3  }
0x34: {  	[smem:$0x3FB7] =	sst s10  }
0x35: {  	s10 =	sld [smem:$0x3FB6];
	_ =	sdelay $0x3  }
0x36: {  	p1 =	seq.s32 s10, $0x1;
	s10 =	sld [smem:$0x3FB7];
	_ =	sdelay $0x3  }
0x37: {  	[smem:$0x3FB7] =	sst s10  }
0x38: {  	s10 =	sld [smem:$0x3FB8]  }
0x39: {  	_ = 	snop;
	(pc) =	sbr.ind lr, $3  }
0x3a: {  	_ = 	snop  }
0x3b: {  	_ = 	snop  }
0x3c: {  	p2 =	seq.s32 s10, $0x1;
	s10 =	sld [smem:$0x3FB7]  }
0x3d: {  	_ =	shalt  }
0x3e: {  	_ =	shalt  }
0x3f: {  	_ =	shalt  }
0x40: {  	_ =	shalt  }
0x41: {  	_ =	shalt  }
0x42: {  	_ =	shalt  }
0x43: {  	_ =	shalt  }
0x44: {  	_ =	shalt  }
0x45: {  	_ =	shalt  }
0x46: {  	_ =	shalt  }
0x47: {  	_ =	shalt  }
0x48: {  	_ =	shalt  }
0x49: {  	_ =	shalt  }
0x4a: {  	_ =	shalt  }
0x4b: {  	_ =	shalt  }
0x4c: {  	_ =	shalt  }
0x4d: {  	_ =	shalt  }
0x4e: {  	_ =	shalt  }
0x4f: {  	_ =	shalt  }
0x50: {  	_ =	shalt  }
0x51: {  	_ =	shalt  }
0x52: {  	_ =	shalt  }
0x53: {  	_ =	shalt  }
0x54: {  	_ =	shalt  }
0x55: {  	_ =	shalt  }
0x56: {  	_ =	shalt  }
0x57: {  	_ =	shalt  }
0x58: {  	_ =	shalt  }
0x59: {  	_ =	shalt  }
0x5a: {  	_ =	shalt  }
0x5b: {  	_ =	shalt  }
0x5c: {  	_ =	shalt  }
0x5d: {  	_ =	shalt  }
0x5e: {  	_ =	shalt  }
0x5f: {  	_ =	shalt  }
0x60: {  	_ =	shalt  }
0x61: {  	_ =	shalt  }
0x62: {  	_ =	shalt  }
0x63: {  	_ =	shalt  }
0x64: {  	_ =	shalt  }
0x65: {  	_ =	shalt  }
0x66: {  	_ =	shalt  }
0x67: {  	_ =	shalt  }
0x68: {  	_ =	shalt  }
0x69: {  	_ =	shalt  }
0x6a: {  	_ =	shalt  }
0x6b: {  	_ =	shalt  }
0x6c: {  	_ =	shalt  }
0x6d: {  	_ =	shalt  }
0x6e: {  	_ =	shalt  }
0x6f: {  	_ =	shalt  }
0x70: {  	_ =	shalt  }
0x71: {  	_ =	shalt  }
0x72: {  	_ =	shalt  }
0x73: {  	_ =	shalt  }
0x74: {  	_ =	shalt  }
0x75: {  	_ =	shalt  }
0x76: {  	_ =	shalt  }
0x77: {  	_ =	shalt  }
0x78: {  	_ =	shalt  }
0x79: {  	_ =	shalt  }
0x7a: {  	_ =	shalt  }
0x7b: {  	_ =	shalt  }
0x7c: {  	_ =	shalt  }
0x7d: {  	_ =	shalt  }
0x7e: {  	_ =	shalt  }
0x7f: {  	_ =	shalt  }
0x80: {  	_ =	shalt  }
0x81: {  	_ =	shalt  }
0x82: {  	_ =	shalt  }
0x83: {  	_ =	shalt  }
0x84: {  	_ =	shalt  }
0x85: {  	_ =	shalt  }
0x86: {  	_ =	shalt  }
0x87: {  	_ =	shalt  }
.Lfunc_end0:
.L_simem_size_0:
called_computation_lowered:
.L_overlay_start_0:
0x88: {  	s2 =	sld [smem:$0x3FD9]  }
0x89: {  	s3 =	sld [smem:$0x3FFE];
	_ =	sdelay $0x1  }
0x8a: {  	s1 =	srdreg.scid  }
0x8b: {  	s0 =	sand.u32 $0x1, s1  }
0x8c: {  	s16 =	sshll.u32 s0, $0xA;
	s2 =	sadd.s32 s3, s2  }
0x8d: {  	s2 =	sadd.s32 s2, s16  }
0x8e: {  	[smem:$0x3FC3] =	sst s2  }
0x8f: {  	_ = 	snop  }
0x90: {  	(tm) =	ssettm $0x1  }
0x91: {  	s17 =	sld [smem:$0x3FFB];
	_ =	sdelay $0x3  }
0x92: {  	_ =	strace s17  }
0x93: {  	s2 =	sld [smem:$0x3FFC];
	_ =	sdelay $0x3  }
0x94: {  	_ =	strace s2  }
0x95: {  	s2 =	sld [smem:$0x3FFD];
	_ =	sdelay $0x3  }
0x96: {  	_ =	strace s2  }
0x97: {  	_ =	strace $0x8FFFFFFF  }
0x98: {  	s18 =	sld [smem:$0x3FDB];
	_ =	sdelay $0x1  }
0x99: {  	s19 =	simm.s32 $_scs_section_size  }
0x9a: {  	s4 =	simm.s32 $_size__tile_overlayer_lowered;
	s5 =	simm.s32 $_tile_overlayer_lowered  }
0x9b: {  	s22 =	simm.s32 $0x1BFF;
	s21 =	sshll.u32 s5, $0x1;
	s2 =	sadd.s32 s19, s18  }
0x9c: {  	s6 =	simm.s32 $0x0;
	s20 =	sshll.u32 s4, $0x1;
	s4 =	sadd.s32 s21, s2  }
0x9d: {  	[timem:s6], [sflag:s22] =	dma.local [hbm:s4], s20  }
0x9e: {  	_ =	swait.ge [sflag:s22], s20  }
0x9f: {  	s3 =	ssub.s32 $0x0, s20;
	[sflag:s22] =	ssyncset.done $0x0  }
0xa0: {  	[sflag:s22] =	ssyncadd.s32 s3;
	_ =	sdelay $0x1  }
0xa1: {  	s23 =	simm.s32 $0x1B8B  }
0xa2: {  	_ =	swait.ge [sflag:s23], $0x1  }
0xa3: {  	[sflag:s23] =	ssyncset.done $0x0  }
0xa4: {  	s25 =	simm.s32 $0x1B8E;
	s24 =	sld [smem:$0x3FFE];
	[sflag:s23] =	ssyncadd.s32 $0xFFFFFFFF  }
0xa5: {  	s26 =	simm.s32 $execute0_lowered;
	[smem:$0x3FD2] =	sst s25  }
0xa6: {  	s4 =	sshll.u32 s26, $0x1;
	_ =	strace $0x80000046;
	[dreg:$0x1] =	wrdreg $0xFFFFFFFF  }
0xa7: {  	s28 =	simm.s32 $_size_execute0_lowered;
	s2 =	sadd.s32 s2, s4;
	[dreg:$0x0] =	wrdreg $0x0  }
0xa8: {  	s4 =	sshll.u32 s28, $0x1;
	[dreg:$0x2] =	wrdreg s2  }
0xa9: {  	[dreg:$0x3] =	wrdreg s4  }
0xaa: {  	[dreg:$0x4] =	wrdreg $0xC0  }
0xab: {  	_ =	task [dreg:s6], $0x5FFFF  }
0xac: {  	[dreg:$0x1] =	wrdreg $0xFFFFFFFF  }
0xad: {  	[dreg:$0x0] =	wrdreg $0x60  }
0xae: {  	[dreg:$0x2] =	wrdreg s24  }
0xaf: {  	[dreg:$0x3] =	wrdreg $0x9  }
0xb0: {  	_ =	task.clear_ibuf [dreg:s6], $0x4FFFF;
	_ =	strace $0x90000046  }
0xb1: {  	s29 =	simm.s32 $0x9;
	_ =	strace $0x80000048  }
0xb2: {  	_ =	swait.ge [sflag:s29], $0x1  }
0xb3: {  	[sflag:s29] =	ssyncadd.s32 $0xFFFFFFFF  }
0xb4: {  	_ =	strace $0x90000048  }
0xb5: {  	_ =	sfence  }
0xb6: {  	s30 =	sld [smem:$0x0];
	_ =	sdelay $0x2  }
0xb7: {  	s31 =	sshll.u32 s1, $0xD;
	s1 =	sshrl.u32 s1, $0x2  }
0xb8: {  	s3 =	sand.u32 $0x4000, s31;
	s1 =	sadd.s32 s1, s30  }
0xb9: {  	s0 =	sor.u32 s3, s0;
	s1 =	sshll.u32 s1, $0x11  }
0xba: {  	s0 =	sor.u32 s1, s0  }
0xbb: {  	s0 =	sadd.s32 $0x8F2B, s0  }
0xbc: {  	[sflag:s0] =	ssyncadd.remote.s32 $0x1  }
0xbd: {  	_ =	sfence.sel $0xFFFF  }
0xbe: {  	[dreg:$0x0] =	wrdreg $0xFFFFFFFF;
	(pc) =	sbr.abs _section_cstart, $3  }
0xbf: {  	[dreg:$0x1] =	wrdreg $0xFFFFFFFF  }
0xc0: {  	_ =	task.clear_ibuf [dreg:s6], $0x2FFFF;
	_ =	strace $0x9FFFFFFF  }
0xc1: {  	(tm) =	ssettm $0x7FFFFFFF  }
tec
execute0_lowered:
.L_overlay_start_1:
0x0: {  	(tag) =	ssettag $0x1  }
0x1: {  	s1 =	srdreg.scid;
	s0 =	stileid.u32  }
0x2: {  	s2 =	rddreg [dreg:$0x0];
	s3 =	simm.s32 $0x0;
	s12 =	simm.s32 $0x9000  }
0x3: {  	s13 =	simm.s32 $0x3;
	s14 =	simm.s32 $0x4800;
	s15 =	simm.s32 $0x1  }
0x4: {  	s16 =	simm.s32 $0x9080;
	s4 =	sand.u32 $0x1, s1;
	s30 =	sshll.u32 s0, $0x1  }
0x5: {  	s17 =	simm.s32 $0xCA00;
	s18 =	simm.s32 $0x10380;
	s5 =	sor.u32 s4, s30  }
0x6: {  	s19 =	simm.s32 $0x2;
	s20 =	simm.s32 $0x0;
	s6 =	smul.u32 $0x3910, s5  }
0x7: {  	s1 =	rddreg [dreg:$0x1];
	s4 =	ssub.s32 $0x2, s4;
	s7 =	smul.u32 $0x12000, s5  }
0x8: {  	[smem:$0x7FF] =	sst s3;
	s5 =	smul.u32 $0x2400, s5;
	s31 =	sshrl.u32 s4, $0x1  }
0x9: {  	s8 =	sadd.s32 $0x200, s2;
	_ =	strace $0x80000047;
	s11 =	ssub.s32 s4, s31  }
0xa: {  	s6 =	sshrl.u32 s6, $0x3;
	s7 =	sshrl.u32 s7, $0x3;
	s4 =	sadd.s32 s8, s5  }
0xb: {  	s11 =	smax.u32 s11, $0x1;
	s10 =	sadd.s32 s6, s2;
	s7 =	sadd.s32 s8, s7  }
0xc: {  	s5 =	sadd.s32 $0x900, s7;
	s6 =	sadd.s32 $0x1200, s7;
	s7 =	sadd.s32 $0x1B00, s7  }
0xd: {  	v0 =	vimm.f32 $0.0e+00;
	s8 =	sadd.s32 $0x4A200, s10;
	s9 =	sadd.s32 $0x58640, s10;
	s10 =	sadd.s32 $0x66A80, s10  }
.LBB2_1:
0xe: {  	[tilespmem:s12], [sflag:$0x3] =	stream.linear.gather [hbm4b:s2+s3], $0x80, $0x38;
	[tilespmem:$0x13D00] =	vst v63  }
0xf: {  	_ =	swait.ge [sflag:s13], $0x80  }
0x10: {  	[sflag:s13] =	ssyncset.done $0x0  }
0x11: {  	s21 =	simm.s32 $0x40;
	s22 =	simm.s32 $0x0;
	[sflag:s13] =	ssyncadd.s32 $0xFFFFFF80  }
.LBB2_2:
0x12: {  	p0 =	sne.s32 s21, $0xE400;
	[tilespmem:s22+$0x10380] =	vst v0;
	s23 =	smov.u32 s21;
	s21 =	sadd.s32 $0x40, s21  }
.Ltmp0:
0x13: {  	[tilespmem:s22+$0x9080] =	vst v0;
	(pc) =	sbr.rel @p0 .LBB2_2-.Ltmp0, $2  }
0x14: {  	[tilespmem:s22+$0xCA00] =	vst v0;
	_ =	sdelay $0x2  }
0x15: {  	s22 =	sshra.s32 s23, $0x2  }
0x16: {  	[tilespmem:s22+$0x10380] =	vst v0  }
0x17: {  	[tilespmem:s22+$0x9080] =	vst v0  }
0x18: {  	[tilespmem:s22+$0xCA00] =	vst v0;
	s21 =	simm.s32 $0x0  }
0x19: {  	[tilespmem:s21], [sflag:$0x1] =	stream.linear.gather [hbm4b:s4+s21], $0x4800, $0x38;
	[tilespmem:$0x13D00] =	vst v63  }
0x1a: {  	_ = 	snop  }
0x1b: {  	[tilespmem:s14], [sflag:$0x2] =	stream.linear.gather [hbm4b:s5+s21], $0x4800, $0x38;
	[tilespmem:$0x13D00] =	vst v63  }
0x1c: {  	_ =	swait.ge [sflag:s15], $0x4800  }
0x1d: {  	[sflag:s15] =	ssyncset.done $0x0  }
0x1e: {  	[sflag:s15] =	ssyncadd.s32 $0xFFFFB800  }
.LBB2_4:
0x1f: {  	s22 =	sshll.u32 s21, $0x8;
	s23 =	sshll.u32 s21, $0x7  }
0x20: {  	s22 =	sand.u32 $0x7800, s22;
	s23 =	sand.u32 $0x380, s23  }
0x21: {  	s22 =	sor.u32 s23, s22  }
0x22: {  	v1 =	vmov s22;
	_ =	sdelay $0x2  }
0x23: {  	p0 =	por $0x1, $0x1;
	s22 =	simm.s32 $0x0  }
.LBB2_5:
0x24: {  	s22 =	sshra.s32 s22, $0x2  }
0x25: {  	v2 =	vld.idx.msk [tilespmem:v1+s22+$0x0 ss:$0x1], $0xffff;
	_ =	sdelay $0x3  }
0x26: {  	v4 =	vld.idx.msk [tilespmem:v1+s22+$0x10 ss:$0x1], $0xffff  }
0x27: {  	v3 =	vshra.s32 v2, $0x18;
	_ =	sdelay $0x1  }
0x28: {  	v5 =	vshrl.u32 v2, $0xE  }
0x29: {  	v5 =	vand.u32 $0x3FF, v5  }
0x2a: {  	v7 =	vld.idx.msk [tilespmem:v1+s22+$0x20 ss:$0x1], $0xffff;
	v6 =	vshra.s32 v4, $0x18;
	v5 =	vcvt.s32.f32 v5  }
0x2b: {  	v2 =	vand.u32 $0x3FFF, v2;
	v3 =	vld.idx.msk [tilespmem:v3+s12+$0x0], $0xffff  }
0x2c: {  	v8 =	vshrl.u32 v4, $0xE;
	v5 =	vmul.f32 $1.220703140e-05, v5  }
0x2d: {  	v10 =	vld.idx.msk [tilespmem:v1+s22+$0x30 ss:$0x1], $0xffff;
	v8 =	vand.u32 $0x3FF, v8  }
0x2e: {  	v42 =	vld.idx.msk [tilespmem:v1+s22+$0x40 ss:$0x1], $0xffff;
	v8 =	vcvt.s32.f32 v8;
	v5 =	vadd.f32 $-6.243896670e-03, v5  }
0x2f: {  	v6 =	vld.idx.msk [tilespmem:v6+s12+$0x0], $0xffff  }
0x30: {  	v40 =	vshra.s32 v7, $0x18;
	v9 =	vmul.f32 v5, v3;
	[tilespmem:v2+s16+$0x0] =	vst.idx.add.f32.msk $0xffff, v3;
	v3 =	vmul.f32 $1.220703140e-05, v8  }
0x31: {  	v45 =	vld.idx.msk [tilespmem:v1+s22+$0x50 ss:$0x1], $0xffff;
	v4 =	vand.u32 $0x3FFF, v4  }
0x32: {  	v12 =	vld.idx.msk [tilespmem:v1+s22+$0x60 ss:$0x1], $0xffff;
	v5 =	vmul.f32 v9, v5;
	v3 =	vadd.f32 $-6.243896670e-03, v3  }
0x33: {  	[tilespmem:v2+s17+$0x0] =	vst.idx.add.f32.msk $0xffff, v9  }
0x34: {  	[tilespmem:v2+s18+$0x0] =	vst.idx.add.f32.msk $0xffff, v5;
	v2 =	vshrl.u32 v7, $0xE;
	v41 =	vmul.f32 v3, v6  }
0x35: {  	v8 =	vld.idx.msk [tilespmem:v40+s12+$0x0], $0xffff;
	v2 =	vand.u32 $0x3FF, v2  }
0x36: {  	v43 =	vshra.s32 v10, $0x18;
	[tilespmem:v4+s16+$0x0] =	vst.idx.add.f32.msk $0xffff, v6;
	v2 =	vcvt.s32.f32 v2;
	v3 =	vmul.f32 v41, v3  }
0x37: {  	v7 =	vand.u32 $0x3FFF, v7;
	[tilespmem:v4+s17+$0x0] =	vst.idx.add.f32.msk $0xffff, v41  }
0x38: {  	v50 =	vshra.s32 v12, $0x18;
	v2 =	vmul.f32 $1.220703140e-05, v2;
	[tilespmem:v4+s18+$0x0] =	vst.idx.add.f32.msk $0xffff, v3;
	v3 =	vshrl.u32 v10, $0xE  }
0x39: {  	v44 =	vshra.s32 v42, $0x18;
	v3 =	vand.u32 $0x3FF, v3  }
0x3a: {  	v13 =	vld.idx.msk [tilespmem:v1+s22+$0x70 ss:$0x1], $0xffff;
	v2 =	vadd.f32 $-6.243896670e-03, v2;
	v3 =	vcvt.s32.f32 v3  }
0x3b: {  	v6 =	vld.idx.msk [tilespmem:v43+s12+$0x0], $0xffff  }
0x3c: {  	v10 =	vand.u32 $0x3FFF, v10;
	[tilespmem:v7+s16+$0x0] =	vst.idx.add.f32.msk $0xffff, v8;
	v8 =	vmul.f32 v2, v8;
	v3 =	vmul.f32 $1.220703140e-05, v3  }
0x3d: {  	v11 =	vshrl.u32 v42, $0xE;
	v46 =	vshra.s32 v45, $0x18;
	v55 =	vld.idx.msk [tilespmem:v50+s12+$0x0], $0xffff  }
0x3e: {  	v11 =	vand.u32 $0x3FF, v11;
	v4 =	vld.idx.msk [tilespmem:v44+s12+$0x0], $0xffff;
	v2 =	vmul.f32 v8, v2;
	v3 =	vadd.f32 $-6.243896670e-03, v3  }
0x3f: {  	v11 =	vcvt.s32.f32 v11;
	[tilespmem:v7+s17+$0x0] =	vst.idx.add.f32.msk $0xffff, v8  }
0x40: {  	v48 =	vshrl.u32 v45, $0xE;
	[tilespmem:v7+s18+$0x0] =	vst.idx.add.f32.msk $0xffff, v2;
	v2 =	vmul.f32 v3, v6  }
0x41: {  	v59 =	vand.u32 $0x3FFF, v12;
	v11 =	vmul.f32 $1.220703140e-05, v11;
	v9 =	vand.u32 $0x3FF, v48;
	[tilespmem:v10+s16+$0x0] =	vst.idx.add.f32.msk $0xffff, v6  }
0x42: {  	v47 =	vand.u32 $0x3FFF, v42;
	[tilespmem:v10+s17+$0x0] =	vst.idx.add.f32.msk $0xffff, v2;
	v2 =	vmul.f32 v2, v3;
	v3 =	vcvt.s32.f32 v9  }
0x43: {  	v14 =	vshrl.u32 v12, $0xE;
	v52 =	vshra.s32 v13, $0x18;
	v8 =	vld.idx.msk [tilespmem:v46+s12+$0x0], $0xffff  }
0x44: {  	v56 =	vshrl.u32 v13, $0xE;
	v49 =	vadd.f32 $-6.243896670e-03, v11;
	[tilespmem:v10+s18+$0x0] =	vst.idx.add.f32.msk $0xffff, v2;
	v2 =	vmul.f32 $1.220703140e-05, v3  }
0x45: {  	v53 =	vand.u32 $0x3FFF, v45;
	v57 =	vand.u32 $0x3FF, v56;
	v3 =	vand.u32 $0x3FF, v14  }
0x46: {  	[tilespmem:v59+s16+$0x0] =	vst.idx.add.f32.msk $0xffff, v55;
	v51 =	vmul.f32 v49, v4;
	v3 =	vcvt.s32.f32 v3;
	v2 =	vadd.f32 $-6.243896670e-03, v2  }
0x47: {  	[tilespmem:v47+s16+$0x0] =	vst.idx.add.f32.msk $0xffff, v4;
	v9 =	vcvt.s32.f32 v57  }
0x48: {  	[tilespmem:v47+s17+$0x0] =	vst.idx.add.f32.msk $0xffff, v51;
	v3 =	vmul.f32 $1.220703140e-05, v3;
	v58 =	vmul.f32 v2, v8  }
0x49: {  	v62 =	vand.u32 $0x3FFF, v13;
	v10 =	vld.idx.msk [tilespmem:v52+s12+$0x0], $0xffff  }
0x4a: {  	[tilespmem:v53+s16+$0x0] =	vst.idx.add.f32.msk $0xffff, v8;
	v60 =	vmul.f32 $1.220703140e-05, v9;
	v3 =	vadd.f32 $-6.243896670e-03, v3;
	v2 =	vmul.f32 v58, v2  }
0x4b: {  	v54 =	vmul.f32 v51, v49;
	[tilespmem:v53+s17+$0x0] =	vst.idx.add.f32.msk $0xffff, v58  }
0x4c: {  	v61 =	vmul.f32 v3, v55;
	[tilespmem:v53+s18+$0x0] =	vst.idx.add.f32.msk $0xffff, v2;
	v2 =	vadd.f32 $-6.243896670e-03, v60  }
0x4d: {  	p1 =	por p0, p0;
	[tilespmem:v47+s18+$0x0] =	vst.idx.add.f32.msk $0xffff, v54  }
.Ltmp1:
0x4e: {  	[tilespmem:v62+s16+$0x0] =	vst.idx.add.f32.msk $0xffff, v10;
	v3 =	vmul.f32 v61, v3;
	v63 =	vmul.f32 v2, v10;
	(pc) =	sbr.rel @p1 .LBB2_5-.Ltmp1, $4  }
0x4f: {  	[tilespmem:v59+s17+$0x0] =	vst.idx.add.f32.msk $0xffff, v61  }
0x50: {  	[tilespmem:v59+s18+$0x0] =	vst.idx.add.f32.msk $0xffff, v3;
	v2 =	vmul.f32 v63, v2  }
0x51: {  	[tilespmem:v62+s17+$0x0] =	vst.idx.add.f32.msk $0xffff, v63  }
0x52: {  	p0 =	por $0x0, $0x0;
	s22 =	simm.s32 $0x1000;
	[tilespmem:v62+s18+$0x0] =	vst.idx.add.f32.msk $0xffff, v2  }
0x53: {  	s21 =	sadd.s32 $0x1, s21  }
0x54: {  	p0 =	sne.s32 s21, $0x48  }
.Ltmp2:
0x55: {  	_ = 	snop;
	(pc) =	sbr.rel @p0 .LBB2_4-.Ltmp2, $1  }
0x56: {  	_ =	sdelay $0x3  }
0x57: {  	s21 =	simm.s32 $0x0  }
0x58: {  	[tilespmem:s21], [sflag:$0x1] =	stream.linear.gather [hbm4b:s6+s21], $0x4800, $0x38;
	[tilespmem:$0x13D00] =	vst v63  }
0x59: {  	_ =	swait.ge [sflag:s19], $0x4800  }
0x5a: {  	[sflag:s19] =	ssyncset.done $0x0  }
0x5b: {  	[sflag:s19] =	ssyncadd.s32 $0xFFFFB800  }
.LBB2_8:
0x5c: {  	s22 =	sshll.u32 s21, $0x8;
	s23 =	sshll.u32 s21, $0x7  }
0x5d: {  	s22 =	sand.u32 $0x7800, s22;
	s23 =	sand.u32 $0x380, s23  }
0x5e: {  	s22 =	sor.u32 s23, s22  }
0x5f: {  	s22 =	sadd.s32 $0x4800, s22  }
0x60: {  	v1 =	vmov s22;
	_ =	sdelay $0x2  }
0x61: {  	p0 =	por $0x1, $0x1;
	s22 =	simm.s32 $0x0  }
.LBB2_9:
0x62: {  	s22 =	sshra.s32 s22, $0x2  }
0x63: {  	v2 =	vld.idx.msk [tilespmem:v1+s22+$0x0 ss:$0x1], $0xffff;
	_ =	sdelay $0x3  }
0x64: {  	v4 =	vld.idx.msk [tilespmem:v1+s22+$0x10 ss:$0x1], $0xffff  }
0x65: {  	v3 =	vshra.s32 v2, $0x18;
	_ =	sdelay $0x1  }
0x66: {  	v5 =	vshrl.u32 v2, $0xE  }
0x67: {  	v5 =	vand.u32 $0x3FF, v5  }
0x68: {  	v7 =	vld.idx.msk [tilespmem:v1+s22+$0x20 ss:$0x1], $0xffff;
	v6 =	vshra.s32 v4, $0x18;
	v5 =	vcvt.s32.f32 v5  }
0x69: {  	v2 =	vand.u32 $0x3FFF, v2;
	v3 =	vld.idx.msk [tilespmem:v3+s12+$0x0], $0xffff  }
0x6a: {  	v8 =	vshrl.u32 v4, $0xE;
	v5 =	vmul.f32 $1.220703140e-05, v5  }
0x6b: {  	v10 =	vld.idx.msk [tilespmem:v1+s22+$0x30 ss:$0x1], $0xffff;
	v8 =	vand.u32 $0x3FF, v8  }
0x6c: {  	v42 =	vld.idx.msk [tilespmem:v1+s22+$0x40 ss:$0x1], $0xffff;
	v8 =	vcvt.s32.f32 v8;
	v5 =	vadd.f32 $-6.243896670e-03, v5  }
0x6d: {  	v6 =	vld.idx.msk [tilespmem:v6+s12+$0x0], $0xffff  }
0x6e: {  	v40 =	vshra.s32 v7, $0x18;
	v9 =	vmul.f32 v5, v3;
	[tilespmem:v2+s16+$0x0] =	vst.idx.add.f32.msk $0xffff, v3;
	v3 =	vmul.f32 $1.220703140e-05, v8  }
0x6f: {  	v45 =	vld.idx.msk [tilespmem:v1+s22+$0x50 ss:$0x1], $0xffff;
	v4 =	vand.u32 $0x3FFF, v4  }
0x70: {  	v12 =	vld.idx.msk [tilespmem:v1+s22+$0x60 ss:$0x1], $0xffff;
	v5 =	vmul.f32 v9, v5;
	v3 =	vadd.f32 $-6.243896670e-03, v3  }
0x71: {  	[tilespmem:v2+s17+$0x0] =	vst.idx.add.f32.msk $0xffff, v9  }
0x72: {  	[tilespmem:v2+s18+$0x0] =	vst.idx.add.f32.msk $0xffff, v5;
	v2 =	vshrl.u32 v7, $0xE;
	v41 =	vmul.f32 v3, v6  }
0x73: {  	v8 =	vld.idx.msk [tilespmem:v40+s12+$0x0], $0xffff;
	v2 =	vand.u32 $0x3FF, v2  }
0x74: {  	v43 =	vshra.s32 v10, $0x18;
	[tilespmem:v4+s16+$0x0] =	vst.idx.add.f32.msk $0xffff, v6;
	v2 =	vcvt.s32.f32 v2;
	v3 =	vmul.f32 v41, v3  }
0x75: {  	v7 =	vand.u32 $0x3FFF, v7;
	[tilespmem:v4+s17+$0x0] =	vst.idx.add.f32.msk $0xffff, v41  }
0x76: {  	v50 =	vshra.s32 v12, $0x18;
	v2 =	vmul.f32 $1.220703140e-05, v2;
	[tilespmem:v4+s18+$0x0] =	vst.idx.add.f32.msk $0xffff, v3;
	v3 =	vshrl.u32 v10, $0xE  }
0x77: {  	v44 =	vshra.s32 v42, $0x18;
	v3 =	vand.u32 $0x3FF, v3  }
0x78: {  	v13 =	vld.idx.msk [tilespmem:v1+s22+$0x70 ss:$0x1], $0xffff;
	v2 =	vadd.f32 $-6.243896670e-03, v2;
	v3 =	vcvt.s32.f32 v3  }
0x79: {  	v6 =	vld.idx.msk [tilespmem:v43+s12+$0x0], $0xffff  }
0x7a: {  	v10 =	vand.u32 $0x3FFF, v10;
	[tilespmem:v7+s16+$0x0] =	vst.idx.add.f32.msk $0xffff, v8;
	v8 =	vmul.f32 v2, v8;
	v3 =	vmul.f32 $1.220703140e-05, v3  }
0x7b: {  	v11 =	vshrl.u32 v42, $0xE;
	v46 =	vshra.s32 v45, $0x18;
	v55 =	vld.idx.msk [tilespmem:v50+s12+$0x0], $0xffff  }
0x7c: {  	v11 =	vand.u32 $0x3FF, v11;
	v4 =	vld.idx.msk [tilespmem:v44+s12+$0x0], $0xffff;
	v2 =	vmul.f32 v8, v2;
	v3 =	vadd.f32 $-6.243896670e-03, v3  }
0x7d: {  	v11 =	vcvt.s32.f32 v11;
	[tilespmem:v7+s17+$0x0] =	vst.idx.add.f32.msk $0xffff, v8  }
0x7e: {  	v48 =	vshrl.u32 v45, $0xE;
	[tilespmem:v7+s18+$0x0] =	vst.idx.add.f32.msk $0xffff, v2;
	v2 =	vmul.f32 v3, v6  }
0x7f: {  	v59 =	vand.u32 $0x3FFF, v12;
	v11 =	vmul.f32 $1.220703140e-05, v11;
	v9 =	vand.u32 $0x3FF, v48;
	[tilespmem:v10+s16+$0x0] =	vst.idx.add.f32.msk $0xffff, v6  }
0x80: {  	v47 =	vand.u32 $0x3FFF, v42;
	[tilespmem:v10+s17+$0x0] =	vst.idx.add.f32.msk $0xffff, v2;
	v2 =	vmul.f32 v2, v3;
	v3 =	vcvt.s32.f32 v9  }
0x81: {  	v14 =	vshrl.u32 v12, $0xE;
	v52 =	vshra.s32 v13, $0x18;
	v8 =	vld.idx.msk [tilespmem:v46+s12+$0x0], $0xffff  }
0x82: {  	v56 =	vshrl.u32 v13, $0xE;
	v49 =	vadd.f32 $-6.243896670e-03, v11;
	[tilespmem:v10+s18+$0x0] =	vst.idx.add.f32.msk $0xffff, v2;
	v2 =	vmul.f32 $1.220703140e-05, v3  }
0x83: {  	v53 =	vand.u32 $0x3FFF, v45;
	v57 =	vand.u32 $0x3FF, v56;
	v3 =	vand.u32 $0x3FF, v14  }
0x84: {  	[tilespmem:v59+s16+$0x0] =	vst.idx.add.f32.msk $0xffff, v55;
	v51 =	vmul.f32 v49, v4;
	v3 =	vcvt.s32.f32 v3;
	v2 =	vadd.f32 $-6.243896670e-03, v2  }
0x85: {  	[tilespmem:v47+s16+$0x0] =	vst.idx.add.f32.msk $0xffff, v4;
	v9 =	vcvt.s32.f32 v57  }
0x86: {  	[tilespmem:v47+s17+$0x0] =	vst.idx.add.f32.msk $0xffff, v51;
	v3 =	vmul.f32 $1.220703140e-05, v3;
	v58 =	vmul.f32 v2, v8  }
0x87: {  	v62 =	vand.u32 $0x3FFF, v13;
	v10 =	vld.idx.msk [tilespmem:v52+s12+$0x0], $0xffff  }
0x88: {  	[tilespmem:v53+s16+$0x0] =	vst.idx.add.f32.msk $0xffff, v8;
	v60 =	vmul.f32 $1.220703140e-05, v9;
	v3 =	vadd.f32 $-6.243896670e-03, v3;
	v2 =	vmul.f32 v58, v2  }
0x89: {  	v54 =	vmul.f32 v51, v49;
	[tilespmem:v53+s17+$0x0] =	vst.idx.add.f32.msk $0xffff, v58  }
0x8a: {  	v61 =	vmul.f32 v3, v55;
	[tilespmem:v53+s18+$0x0] =	vst.idx.add.f32.msk $0xffff, v2;
	v2 =	vadd.f32 $-6.243896670e-03, v60  }
0x8b: {  	p1 =	por p0, p0;
	[tilespmem:v47+s18+$0x0] =	vst.idx.add.f32.msk $0xffff, v54  }
.Ltmp3:
0x8c: {  	[tilespmem:v62+s16+$0x0] =	vst.idx.add.f32.msk $0xffff, v10;
	v3 =	vmul.f32 v61, v3;
	v63 =	vmul.f32 v2, v10;
	(pc) =	sbr.rel @p1 .LBB2_9-.Ltmp3, $4  }
0x8d: {  	[tilespmem:v59+s17+$0x0] =	vst.idx.add.f32.msk $0xffff, v61  }
0x8e: {  	[tilespmem:v59+s18+$0x0] =	vst.idx.add.f32.msk $0xffff, v3;
	v2 =	vmul.f32 v63, v2  }
0x8f: {  	[tilespmem:v62+s17+$0x0] =	vst.idx.add.f32.msk $0xffff, v63  }
0x90: {  	p0 =	por $0x0, $0x0;
	s22 =	simm.s32 $0x1000;
	[tilespmem:v62+s18+$0x0] =	vst.idx.add.f32.msk $0xffff, v2  }
0x91: {  	s21 =	sadd.s32 $0x1, s21  }
0x92: {  	p0 =	sne.s32 s21, $0x48  }
.Ltmp4:
0x93: {  	_ = 	snop;
	(pc) =	sbr.rel @p0 .LBB2_8-.Ltmp4, $1  }
0x94: {  	_ =	sdelay $0x3  }
0x95: {  	s21 =	simm.s32 $0x0  }
0x96: {  	[tilespmem:s14], [sflag:$0x2] =	stream.linear.gather [hbm4b:s7+s21], $0x4800, $0x38;
	[tilespmem:$0x13D00] =	vst v63  }
0x97: {  	_ =	swait.ge [sflag:s15], $0x4800  }
0x98: {  	[sflag:s15] =	ssyncset.done $0x0  }
0x99: {  	[sflag:s15] =	ssyncadd.s32 $0xFFFFB800  }
.LBB2_12:
0x9a: {  	s22 =	sshll.u32 s21, $0x8;
	s23 =	sshll.u32 s21, $0x7  }
0x9b: {  	s22 =	sand.u32 $0x7800, s22;
	s23 =	sand.u32 $0x380, s23  }
0x9c: {  	s22 =	sor.u32 s23, s22  }
0x9d: {  	v1 =	vmov s22;
	_ =	sdelay $0x2  }
0x9e: {  	p0 =	por $0x1, $0x1;
	s22 =	simm.s32 $0x0  }
.LBB2_13:
0x9f: {  	s22 =	sshra.s32 s22, $0x2  }
0xa0: {  	v2 =	vld.idx.msk [tilespmem:v1+s22+$0x0 ss:$0x1], $0xffff;
	_ =	sdelay $0x3  }
0xa1: {  	v4 =	vld.idx.msk [tilespmem:v1+s22+$0x10 ss:$0x1], $0xffff  }
0xa2: {  	v3 =	vshra.s32 v2, $0x18;
	_ =	sdelay $0x1  }
0xa3: {  	v5 =	vshrl.u32 v2, $0xE  }
0xa4: {  	v5 =	vand.u32 $0x3FF, v5  }
0xa5: {  	v7 =	vld.idx.msk [tilespmem:v1+s22+$0x20 ss:$0x1], $0xffff;
	v6 =	vshra.s32 v4, $0x18;
	v5 =	vcvt.s32.f32 v5  }
0xa6: {  	v2 =	vand.u32 $0x3FFF, v2;
	v3 =	vld.idx.msk [tilespmem:v3+s12+$0x0], $0xffff  }
0xa7: {  	v8 =	vshrl.u32 v4, $0xE;
	v5 =	vmul.f32 $1.220703140e-05, v5  }
0xa8: {  	v10 =	vld.idx.msk [tilespmem:v1+s22+$0x30 ss:$0x1], $0xffff;
	v8 =	vand.u32 $0x3FF, v8  }
0xa9: {  	v42 =	vld.idx.msk [tilespmem:v1+s22+$0x40 ss:$0x1], $0xffff;
	v8 =	vcvt.s32.f32 v8;
	v5 =	vadd.f32 $-6.243896670e-03, v5  }
0xaa: {  	v6 =	vld.idx.msk [tilespmem:v6+s12+$0x0], $0xffff  }
0xab: {  	v40 =	vshra.s32 v7, $0x18;
	v9 =	vmul.f32 v5, v3;
	[tilespmem:v2+s16+$0x0] =	vst.idx.add.f32.msk $0xffff, v3;
	v3 =	vmul.f32 $1.220703140e-05, v8  }
0xac: {  	v45 =	vld.idx.msk [tilespmem:v1+s22+$0x50 ss:$0x1], $0xffff;
	v4 =	vand.u32 $0x3FFF, v4  }
0xad: {  	v12 =	vld.idx.msk [tilespmem:v1+s22+$0x60 ss:$0x1], $0xffff;
	v5 =	vmul.f32 v9, v5;
	v3 =	vadd.f32 $-6.243896670e-03, v3  }
0xae: {  	[tilespmem:v2+s17+$0x0] =	vst.idx.add.f32.msk $0xffff, v9  }
0xaf: {  	[tilespmem:v2+s18+$0x0] =	vst.idx.add.f32.msk $0xffff, v5;
	v2 =	vshrl.u32 v7, $0xE;
	v41 =	vmul.f32 v3, v6  }
0xb0: {  	v8 =	vld.idx.msk [tilespmem:v40+s12+$0x0], $0xffff;
	v2 =	vand.u32 $0x3FF, v2  }
0xb1: {  	v43 =	vshra.s32 v10, $0x18;
	[tilespmem:v4+s16+$0x0] =	vst.idx.add.f32.msk $0xffff, v6;
	v2 =	vcvt.s32.f32 v2;
	v3 =	vmul.f32 v41, v3  }
0xb2: {  	v7 =	vand.u32 $0x3FFF, v7;
	[tilespmem:v4+s17+$0x0] =	vst.idx.add.f32.msk $0xffff, v41  }
0xb3: {  	v50 =	vshra.s32 v12, $0x18;
	v2 =	vmul.f32 $1.220703140e-05, v2;
	[tilespmem:v4+s18+$0x0] =	vst.idx.add.f32.msk $0xffff, v3;
	v3 =	vshrl.u32 v10, $0xE  }
0xb4: {  	v44 =	vshra.s32 v42, $0x18;
	v3 =	vand.u32 $0x3FF, v3  }
0xb5: {  	v13 =	vld.idx.msk [tilespmem:v1+s22+$0x70 ss:$0x1], $0xffff;
	v2 =	vadd.f32 $-6.243896670e-03, v2;
	v3 =	vcvt.s32.f32 v3  }
0xb6: {  	v6 =	vld.idx.msk [tilespmem:v43+s12+$0x0], $0xffff  }
0xb7: {  	v10 =	vand.u32 $0x3FFF, v10;
	[tilespmem:v7+s16+$0x0] =	vst.idx.add.f32.msk $0xffff, v8;
	v8 =	vmul.f32 v2, v8;
	v3 =	vmul.f32 $1.220703140e-05, v3  }
0xb8: {  	v11 =	vshrl.u32 v42, $0xE;
	v46 =	vshra.s32 v45, $0x18;
	v55 =	vld.idx.msk [tilespmem:v50+s12+$0x0], $0xffff  }
0xb9: {  	v11 =	vand.u32 $0x3FF, v11;
	v4 =	vld.idx.msk [tilespmem:v44+s12+$0x0], $0xffff;
	v2 =	vmul.f32 v8, v2;
	v3 =	vadd.f32 $-6.243896670e-03, v3  }
0xba: {  	v11 =	vcvt.s32.f32 v11;
	[tilespmem:v7+s17+$0x0] =	vst.idx.add.f32.msk $0xffff, v8  }
0xbb: {  	v48 =	vshrl.u32 v45, $0xE;
	[tilespmem:v7+s18+$0x0] =	vst.idx.add.f32.msk $0xffff, v2;
	v2 =	vmul.f32 v3, v6  }
0xbc: {  	v59 =	vand.u32 $0x3FFF, v12;
	v11 =	vmul.f32 $1.220703140e-05, v11;
	v9 =	vand.u32 $0x3FF, v48;
	[tilespmem:v10+s16+$0x0] =	vst.idx.add.f32.msk $0xffff, v6  }
0xbd: {  	v47 =	vand.u32 $0x3FFF, v42;
	[tilespmem:v10+s17+$0x0] =	vst.idx.add.f32.msk $0xffff, v2;
	v2 =	vmul.f32 v2, v3;
	v3 =	vcvt.s32.f32 v9  }
0xbe: {  	v14 =	vshrl.u32 v12, $0xE;
	v52 =	vshra.s32 v13, $0x18;
	v8 =	vld.idx.msk [tilespmem:v46+s12+$0x0], $0xffff  }
0xbf: {  	v56 =	vshrl.u32 v13, $0xE;
	v49 =	vadd.f32 $-6.243896670e-03, v11;
	[tilespmem:v10+s18+$0x0] =	vst.idx.add.f32.msk $0xffff, v2;
	v2 =	vmul.f32 $1.220703140e-05, v3  }
0xc0: {  	v53 =	vand.u32 $0x3FFF, v45;
	v57 =	vand.u32 $0x3FF, v56;
	v3 =	vand.u32 $0x3FF, v14  }
0xc1: {  	[tilespmem:v59+s16+$0x0] =	vst.idx.add.f32.msk $0xffff, v55;
	v51 =	vmul.f32 v49, v4;
	v3 =	vcvt.s32.f32 v3;
	v2 =	vadd.f32 $-6.243896670e-03, v2  }
0xc2: {  	[tilespmem:v47+s16+$0x0] =	vst.idx.add.f32.msk $0xffff, v4;
	v9 =	vcvt.s32.f32 v57  }
0xc3: {  	[tilespmem:v47+s17+$0x0] =	vst.idx.add.f32.msk $0xffff, v51;
	v3 =	vmul.f32 $1.220703140e-05, v3;
	v58 =	vmul.f32 v2, v8  }
0xc4: {  	v62 =	vand.u32 $0x3FFF, v13;
	v10 =	vld.idx.msk [tilespmem:v52+s12+$0x0], $0xffff  }
0xc5: {  	[tilespmem:v53+s16+$0x0] =	vst.idx.add.f32.msk $0xffff, v8;
	v60 =	vmul.f32 $1.220703140e-05, v9;
	v3 =	vadd.f32 $-6.243896670e-03, v3;
	v2 =	vmul.f32 v58, v2  }
0xc6: {  	v54 =	vmul.f32 v51, v49;
	[tilespmem:v53+s17+$0x0] =	vst.idx.add.f32.msk $0xffff, v58  }
0xc7: {  	v61 =	vmul.f32 v3, v55;
	[tilespmem:v53+s18+$0x0] =	vst.idx.add.f32.msk $0xffff, v2;
	v2 =	vadd.f32 $-6.243896670e-03, v60  }
0xc8: {  	p1 =	por p0, p0;
	[tilespmem:v47+s18+$0x0] =	vst.idx.add.f32.msk $0xffff, v54  }
.Ltmp5:
0xc9: {  	[tilespmem:v62+s16+$0x0] =	vst.idx.add.f32.msk $0xffff, v10;
	v3 =	vmul.f32 v61, v3;
	v63 =	vmul.f32 v2, v10;
	(pc) =	sbr.rel @p1 .LBB2_13-.Ltmp5, $4  }
0xca: {  	[tilespmem:v59+s17+$0x0] =	vst.idx.add.f32.msk $0xffff, v61  }
0xcb: {  	[tilespmem:v59+s18+$0x0] =	vst.idx.add.f32.msk $0xffff, v3;
	v2 =	vmul.f32 v63, v2  }
0xcc: {  	[tilespmem:v62+s17+$0x0] =	vst.idx.add.f32.msk $0xffff, v63  }
0xcd: {  	p0 =	por $0x0, $0x0;
	s22 =	simm.s32 $0x1000;
	[tilespmem:v62+s18+$0x0] =	vst.idx.add.f32.msk $0xffff, v2  }
0xce: {  	s21 =	sadd.s32 $0x1, s21  }
0xcf: {  	p0 =	sne.s32 s21, $0x48  }
.Ltmp6:
0xd0: {  	_ = 	snop;
	(pc) =	sbr.rel @p0 .LBB2_12-.Ltmp6, $1  }
0xd1: {  	_ =	sdelay $0x3  }
0xd2: {  	_ =	swait.ge [sflag:s19], $0x4800  }
0xd3: {  	[sflag:s19] =	ssyncset.done $0x0  }
0xd4: {  	s21 =	simm.s32 $0x0;
	[sflag:s19] =	ssyncadd.s32 $0xFFFFB800  }
.LBB2_16:
0xd5: {  	s22 =	sshll.u32 s21, $0x8;
	s23 =	sshll.u32 s21, $0x7  }
0xd6: {  	s22 =	sand.u32 $0x7800, s22;
	s23 =	sand.u32 $0x380, s23  }
0xd7: {  	s22 =	sor.u32 s23, s22  }
0xd8: {  	s22 =	sadd.s32 $0x4800, s22  }
0xd9: {  	v1 =	vmov s22;
	_ =	sdelay $0x2  }
0xda: {  	p0 =	por $0x1, $0x1;
	s22 =	simm.s32 $0x0  }
.LBB2_17:
0xdb: {  	s22 =	sshra.s32 s22, $0x2  }
0xdc: {  	v2 =	vld.idx.msk [tilespmem:v1+s22+$0x0 ss:$0x1], $0xffff;
	_ =	sdelay $0x3  }
0xdd: {  	v4 =	vld.idx.msk [tilespmem:v1+s22+$0x10 ss:$0x1], $0xffff  }
0xde: {  	v3 =	vshra.s32 v2, $0x18;
	_ =	sdelay $0x1  }
0xdf: {  	v5 =	vshrl.u32 v2, $0xE  }
0xe0: {  	v5 =	vand.u32 $0x3FF, v5  }
0xe1: {  	v7 =	vld.idx.msk [tilespmem:v1+s22+$0x20 ss:$0x1], $0xffff;
	v6 =	vshra.s32 v4, $0x18;
	v5 =	vcvt.s32.f32 v5  }
0xe2: {  	v2 =	vand.u32 $0x3FFF, v2;
	v3 =	vld.idx.msk [tilespmem:v3+s12+$0x0], $0xffff  }
0xe3: {  	v8 =	vshrl.u32 v4, $0xE;
	v5 =	vmul.f32 $1.220703140e-05, v5  }
0xe4: {  	v10 =	vld.idx.msk [tilespmem:v1+s22+$0x30 ss:$0x1], $0xffff;
	v8 =	vand.u32 $0x3FF, v8  }
0xe5: {  	v42 =	vld.idx.msk [tilespmem:v1+s22+$0x40 ss:$0x1], $0xffff;
	v8 =	vcvt.s32.f32 v8;
	v5 =	vadd.f32 $-6.243896670e-03, v5  }
0xe6: {  	v6 =	vld.idx.msk [tilespmem:v6+s12+$0x0], $0xffff  }
0xe7: {  	v40 =	vshra.s32 v7, $0x18;
	v9 =	vmul.f32 v5, v3;
	[tilespmem:v2+s16+$0x0] =	vst.idx.add.f32.msk $0xffff, v3;
	v3 =	vmul.f32 $1.220703140e-05, v8  }
0xe8: {  	v45 =	vld.idx.msk [tilespmem:v1+s22+$0x50 ss:$0x1], $0xffff;
	v4 =	vand.u32 $0x3FFF, v4  }
0xe9: {  	v12 =	vld.idx.msk [tilespmem:v1+s22+$0x60 ss:$0x1], $0xffff;
	v5 =	vmul.f32 v9, v5;
	v3 =	vadd.f32 $-6.243896670e-03, v3  }
0xea: {  	[tilespmem:v2+s17+$0x0] =	vst.idx.add.f32.msk $0xffff, v9  }
0xeb: {  	[tilespmem:v2+s18+$0x0] =	vst.idx.add.f32.msk $0xffff, v5;
	v2 =	vshrl.u32 v7, $0xE;
	v41 =	vmul.f32 v3, v6  }
0xec: {  	v8 =	vld.idx.msk [tilespmem:v40+s12+$0x0], $0xffff;
	v2 =	vand.u32 $0x3FF, v2  }
0xed: {  	v43 =	vshra.s32 v10, $0x18;
	[tilespmem:v4+s16+$0x0] =	vst.idx.add.f32.msk $0xffff, v6;
	v2 =	vcvt.s32.f32 v2;
	v3 =	vmul.f32 v41, v3  }
0xee: {  	v7 =	vand.u32 $0x3FFF, v7;
	[tilespmem:v4+s17+$0x0] =	vst.idx.add.f32.msk $0xffff, v41  }
0xef: {  	v50 =	vshra.s32 v12, $0x18;
	v2 =	vmul.f32 $1.220703140e-05, v2;
	[tilespmem:v4+s18+$0x0] =	vst.idx.add.f32.msk $0xffff, v3;
	v3 =	vshrl.u32 v10, $0xE  }
0xf0: {  	v44 =	vshra.s32 v42, $0x18;
	v3 =	vand.u32 $0x3FF, v3  }
0xf1: {  	v13 =	vld.idx.msk [tilespmem:v1+s22+$0x70 ss:$0x1], $0xffff;
	v2 =	vadd.f32 $-6.243896670e-03, v2;
	v3 =	vcvt.s32.f32 v3  }
0xf2: {  	v6 =	vld.idx.msk [tilespmem:v43+s12+$0x0], $0xffff  }
0xf3: {  	v10 =	vand.u32 $0x3FFF, v10;
	[tilespmem:v7+s16+$0x0] =	vst.idx.add.f32.msk $0xffff, v8;
	v8 =	vmul.f32 v2, v8;
	v3 =	vmul.f32 $1.220703140e-05, v3  }
0xf4: {  	v11 =	vshrl.u32 v42, $0xE;
	v46 =	vshra.s32 v45, $0x18;
	v55 =	vld.idx.msk [tilespmem:v50+s12+$0x0], $0xffff  }
0xf5: {  	v11 =	vand.u32 $0x3FF, v11;
	v4 =	vld.idx.msk [tilespmem:v44+s12+$0x0], $0xffff;
	v2 =	vmul.f32 v8, v2;
	v3 =	vadd.f32 $-6.243896670e-03, v3  }
0xf6: {  	v11 =	vcvt.s32.f32 v11;
	[tilespmem:v7+s17+$0x0] =	vst.idx.add.f32.msk $0xffff, v8  }
0xf7: {  	v48 =	vshrl.u32 v45, $0xE;
	[tilespmem:v7+s18+$0x0] =	vst.idx.add.f32.msk $0xffff, v2;
	v2 =	vmul.f32 v3, v6  }
0xf8: {  	v59 =	vand.u32 $0x3FFF, v12;
	v11 =	vmul.f32 $1.220703140e-05, v11;
	v9 =	vand.u32 $0x3FF, v48;
	[tilespmem:v10+s16+$0x0] =	vst.idx.add.f32.msk $0xffff, v6  }
0xf9: {  	v47 =	vand.u32 $0x3FFF, v42;
	[tilespmem:v10+s17+$0x0] =	vst.idx.add.f32.msk $0xffff, v2;
	v2 =	vmul.f32 v2, v3;
	v3 =	vcvt.s32.f32 v9  }
0xfa: {  	v14 =	vshrl.u32 v12, $0xE;
	v52 =	vshra.s32 v13, $0x18;
	v8 =	vld.idx.msk [tilespmem:v46+s12+$0x0], $0xffff  }
0xfb: {  	v56 =	vshrl.u32 v13, $0xE;
	v49 =	vadd.f32 $-6.243896670e-03, v11;
	[tilespmem:v10+s18+$0x0] =	vst.idx.add.f32.msk $0xffff, v2;
	v2 =	vmul.f32 $1.220703140e-05, v3  }
0xfc: {  	v53 =	vand.u32 $0x3FFF, v45;
	v57 =	vand.u32 $0x3FF, v56;
	v3 =	vand.u32 $0x3FF, v14  }
0xfd: {  	[tilespmem:v59+s16+$0x0] =	vst.idx.add.f32.msk $0xffff, v55;
	v51 =	vmul.f32 v49, v4;
	v3 =	vcvt.s32.f32 v3;
	v2 =	vadd.f32 $-6.243896670e-03, v2  }
0xfe: {  	[tilespmem:v47+s16+$0x0] =	vst.idx.add.f32.msk $0xffff, v4;
	v9 =	vcvt.s32.f32 v57  }
0xff: {  	[tilespmem:v47+s17+$0x0] =	vst.idx.add.f32.msk $0xffff, v51;
	v3 =	vmul.f32 $1.220703140e-05, v3;
	v58 =	vmul.f32 v2, v8  }
0x100: {  	v62 =	vand.u32 $0x3FFF, v13;
	v10 =	vld.idx.msk [tilespmem:v52+s12+$0x0], $0xffff  }
0x101: {  	[tilespmem:v53+s16+$0x0] =	vst.idx.add.f32.msk $0xffff, v8;
	v60 =	vmul.f32 $1.220703140e-05, v9;
	v3 =	vadd.f32 $-6.243896670e-03, v3;
	v2 =	vmul.f32 v58, v2  }
0x102: {  	v54 =	vmul.f32 v51, v49;
	[tilespmem:v53+s17+$0x0] =	vst.idx.add.f32.msk $0xffff, v58  }
0x103: {  	v61 =	vmul.f32 v3, v55;
	[tilespmem:v53+s18+$0x0] =	vst.idx.add.f32.msk $0xffff, v2;
	v2 =	vadd.f32 $-6.243896670e-03, v60  }
0x104: {  	p1 =	por p0, p0;
	[tilespmem:v47+s18+$0x0] =	vst.idx.add.f32.msk $0xffff, v54  }
.Ltmp7:
0x105: {  	[tilespmem:v62+s16+$0x0] =	vst.idx.add.f32.msk $0xffff, v10;
	v3 =	vmul.f32 v61, v3;
	v63 =	vmul.f32 v2, v10;
	(pc) =	sbr.rel @p1 .LBB2_17-.Ltmp7, $4  }
0x106: {  	[tilespmem:v59+s17+$0x0] =	vst.idx.add.f32.msk $0xffff, v61  }
0x107: {  	[tilespmem:v59+s18+$0x0] =	vst.idx.add.f32.msk $0xffff, v3;
	v2 =	vmul.f32 v63, v2  }
0x108: {  	[tilespmem:v62+s17+$0x0] =	vst.idx.add.f32.msk $0xffff, v63  }
0x109: {  	p0 =	por $0x0, $0x0;
	s22 =	simm.s32 $0x1000;
	[tilespmem:v62+s18+$0x0] =	vst.idx.add.f32.msk $0xffff, v2  }
0x10a: {  	s21 =	sadd.s32 $0x1, s21  }
0x10b: {  	p0 =	sne.s32 s21, $0x48  }
.Ltmp8:
0x10c: {  	_ = 	snop;
	(pc) =	sbr.rel @p0 .LBB2_16-.Ltmp8, $1  }
0x10d: {  	_ =	sdelay $0x3  }
0x10e: {  	[hbm4b:s8+s3] =	stream.linear.scatter [tilespmem:s16], [sflag:$0x3], $0x3910, $0x38;
	[tilespmem:$0x13D00] =	vst v63  }
0x10f: {  	_ =	swait.ge [sflag:s13], $0x3910  }
0x110: {  	[sflag:s13] =	ssyncset.done $0x0  }
0x111: {  	[sflag:s13] =	ssyncadd.s32 $0xFFFFC6F0  }
0x112: {  	[hbm4b:s9+s3] =	stream.linear.scatter [tilespmem:s17], [sflag:$0x3], $0x3910, $0x38;
	[tilespmem:$0x13D00] =	vst v63  }
0x113: {  	s20 =	sadd.s32 $0x1, s20;
	_ =	swait.ge [sflag:s13], $0x3910  }
0x114: {  	p0 =	sne.s32 s20, s11;
	[sflag:s13] =	ssyncset.done $0x0  }
.Ltmp9:
0x115: {  	[sflag:s13] =	ssyncadd.s32 $0xFFFFC6F0;
	(pc) =	sbr.rel @p0 .LBB2_1-.Ltmp9, $4  }
0x116: {  	[hbm4b:s10+s3] =	stream.linear.scatter [tilespmem:s18], [sflag:$0x3], $0x3910, $0x38;
	[tilespmem:$0x13D00] =	vst v63  }
0x117: {  	_ =	swait.ge [sflag:s13], $0x3910  }
0x118: {  	[sflag:s13] =	ssyncset.done $0x0  }
0x119: {  	[sflag:s13] =	ssyncadd.s32 $0xFFFFC6F0  }
0x11a: {  	_ =	sfence.sel $0x180000  }
0x11b: {  	[bflag:$0x0] =	sbarrier.arrive $0xFFFF  }
0x11c: {  	p0 =	sne.s32 s0, $0x0;
	_ =	strace $0x90000047  }
0x11d: {  	s0 =	sadd.s32 @!p0 $0x100000, s1;
	[bflag:$0x2] =	sbarrier.arrive $0xFFFF  }
0x11e: {  	[sflag:s0] =	ssyncadd.tile.s32 @!p0 $0x1;
	_ =	shalt  }
.Lfunc_end2:
_tile_overlayer_lowered:
.L_overlay_start_2:
0x11f: {  	(tag) =	ssettag $0x2  }
0x120: {  	s0 =	rddreg [dreg:$0x0];
	s2 =	stileid.u32  }
0x121: {  	s1 =	rddreg [dreg:$0x1];
	p0 =	sne.s32 s2, $0x0  }
0x122: {  	s3 =	rddreg [dreg:$0x2];
	[bflag:$0x3] =	sbarrier.arrive $0xFFFF;
	s2 =	simm.s32 @!p0 $0x1C03  }
0x123: {  	[timem:s3], [sflag:s2] =	dma.local @!p0 [hbm:s0], s1  }
0x124: {  	s0 =	simm.s32 @!p0 $0x3  }
0x125: {  	_ =	swait.ge @!p0 [sflag:s0], s1  }
0x126: {  	s1 =	ssub.s32 @!p0 $0x0, s1;
	[sflag:s0] =	ssyncset.done @!p0 $0x0  }
0x127: {  	[sflag:s0] =	ssyncadd.s32 @!p0 s1  }
0x128: {  	[bflag:$0x3] =	sbarrier.arrive $0xFFFF  }
0x129: {  	_ =	shalt  }

</sc_bundles>
